<compile_context>
chip_gen: v7x
topology: tpu7x:2x2x1
jax: 0.10.2.dev20260603
libtpu: 0.0.44.dev20260713+nightly
codegen_flags: <defaults>
</compile_context>

<pallas_src>
import functools

import jax
import jax.numpy as jnp
from jax import lax
from jax.experimental import pallas as pl
from jax.experimental.pallas import tpu as pltpu
from jax.experimental.pallas import tpu_sc as plsc

N = 10000
NP = 10112
E = 320000
D = 128

NC = 2
NS = 16
NW = NC * NS
EPW = E // NW
K = 80
CH = EPW // K
ROWS_PT = NP // NS


@functools.cache
def _get_deg_kernel():
    mesh = plsc.VectorSubcoreMesh(
        core_axis_name="c", subcore_axis_name="s", num_cores=NC, num_subcores=NS
    )
    return pl.kernel(
        _deg_body,
        out_type=jax.ShapeDtypeStruct((NW * NP,), jnp.float32),
        mesh=mesh,
        scratch_types=[
            pltpu.VMEM((EPW,), jnp.int32),
            pltpu.VMEM((NP,), jnp.float32),
        ],
        compiler_params=pltpu.CompilerParams(needs_layout_passes=False),
    )


def _deg_body(e_hbm, out_hbm, dst_v, hist_v):
    cid = lax.axis_index("c")
    sid = lax.axis_index("s")
    wid = cid * NS + sid

    zero16 = jnp.zeros((16,), jnp.float32)
    one16 = jnp.ones((16,), jnp.float32)

    def zbody(i, _):
        hist_v[pl.ds(i * 16, 16)] = zero16
        return ()

    lax.fori_loop(0, NP // 16, zbody, (), unroll=False)

    pltpu.sync_copy(e_hbm.at[pl.ds(E + wid * EPW, EPW)], dst_v)

    def hbody(i, _):
        idx = dst_v[pl.ds(i * 16, 16)]
        plsc.addupdate_scatter(hist_v, [idx], one16)
        return ()

    lax.fori_loop(0, EPW // 16, hbody, (), unroll=False)

    pltpu.sync_copy(hist_v, out_hbm.at[pl.ds(wid * NP, NP)])


@functools.cache
def _get_agg_kernel():
    mesh = plsc.VectorSubcoreMesh(
        core_axis_name="c", subcore_axis_name="s", num_cores=NC, num_subcores=NS
    )
    return pl.kernel(
        _agg_body,
        out_type=jax.ShapeDtypeStruct((NC, NP, D), jnp.float32),
        mesh=mesh,
        scratch_types=[
            pltpu.VMEM((EPW,), jnp.int32),
            pltpu.VMEM((EPW,), jnp.int32),
            [pltpu.VMEM((K, D), jnp.float32)] * 2,
            [pltpu.SemaphoreType.DMA] * 2,
            pltpu.VMEM_SHARED((NP, D), jnp.float32),
        ],
    )


def _agg_body(g_hbm, e_hbm, out_hbm, src_v, dst_v, rows, gsems, acc_sh):
    cid = lax.axis_index("c")
    sid = lax.axis_index("s")
    wid = cid * NS + sid

    sl = pl.ds(sid * ROWS_PT, ROWS_PT)
    pltpu.sync_copy(g_hbm.at[sl], acc_sh.at[sl])
    pltpu.sync_copy(e_hbm.at[pl.ds(wid * EPW, EPW)], src_v)
    pltpu.sync_copy(e_hbm.at[pl.ds(E + wid * EPW, EPW)], dst_v)
    plsc.subcore_barrier()

    def sidx(j):
        return src_v.at[pl.ds(j * K, K)]

    def didx(j):
        return dst_v.at[pl.ds(j * K, K)]

    pltpu.async_copy(g_hbm.at[sidx(0)], rows[0], gsems[0])
    pltpu.async_copy(g_hbm.at[sidx(1)], rows[1], gsems[1])

    def chunk(j, b):
        pltpu.make_async_copy(g_hbm.at[sidx(j)], rows[b], gsems[b]).wait()
        pltpu.sync_copy(rows[b], acc_sh.at[didx(j)], add=True)

        @pl.when(j + 2 < CH)
        def _():
            pltpu.async_copy(g_hbm.at[sidx(j + 2)], rows[b], gsems[b])

    def body(i, _):
        chunk(2 * i, 0)
        chunk(2 * i + 1, 1)
        return ()

    lax.fori_loop(0, (CH - 1) // 2, body, (), unroll=False)
    chunk(CH - 1, 0)

    plsc.subcore_barrier()
    pltpu.sync_copy(acc_sh.at[sl], out_hbm.at[cid, sl])



R = 1264


def _scale1_body(degp_ref, x_ref, w_ref, g_ref, dinv_ref):
    deg = jnp.sum(degp_ref[...], axis=1, keepdims=True) + 1.0
    dinv = lax.rsqrt(deg)
    h = jnp.dot(x_ref[...], w_ref[...], preferred_element_type=jnp.float32)
    g_ref[...] = dinv * h
    dinv_ref[...] = jnp.broadcast_to(dinv, (R, D))


def _mm_scale1(degp, x, w1):
    return pl.pallas_call(
        _scale1_body,
        grid=(NP // R,),
        in_specs=[
            pl.BlockSpec((R, NW), lambda i: (i, 0)),
            pl.BlockSpec((R, D), lambda i: (i, 0)),
            pl.BlockSpec((D, D), lambda i: (0, 0)),
        ],
        out_specs=[
            pl.BlockSpec((R, D), lambda i: (i, 0)),
            pl.BlockSpec((R, D), lambda i: (i, 0)),
        ],
        out_shape=[
            jax.ShapeDtypeStruct((NP, D), jnp.float32),
            jax.ShapeDtypeStruct((NP, D), jnp.float32),
        ],
    )(degp, x, w1)


def _mid_body(acc_ref, g1_ref, dinv_ref, w_ref, b1_ref, g2_ref):
    dinv = dinv_ref[...]
    agg = acc_ref[0] + acc_ref[1] - g1_ref[...]
    h = jnp.maximum(dinv * agg + b1_ref[...], 0.0)
    g2_ref[...] = dinv * jnp.dot(h, w_ref[...], preferred_element_type=jnp.float32)


def _mid(acc1, g1, dinvb, w2, b1):
    return pl.pallas_call(
        _mid_body,
        grid=(NP // R,),
        in_specs=[
            pl.BlockSpec((NC, R, D), lambda i: (0, i, 0)),
            pl.BlockSpec((R, D), lambda i: (i, 0)),
            pl.BlockSpec((R, D), lambda i: (i, 0)),
            pl.BlockSpec((D, D), lambda i: (0, 0)),
            pl.BlockSpec((1, D), lambda i: (0, 0)),
        ],
        out_specs=pl.BlockSpec((R, D), lambda i: (i, 0)),
        out_shape=jax.ShapeDtypeStruct((NP, D), jnp.float32),
    )(acc1, g1, dinvb, w2, b1)


def _final_body(acc_ref, g2_ref, dinv_ref, b2_ref, out_ref):
    agg = acc_ref[0] + acc_ref[1] - g2_ref[...]
    z = dinv_ref[...] * agg + b2_ref[...]
    m = jnp.max(z, axis=1, keepdims=True)
    lse = jnp.log(jnp.sum(jnp.exp(z - m), axis=1, keepdims=True))
    out_ref[...] = z - m - lse


RF = 2000


def _final(acc2, g2, dinvb, b2):
    return pl.pallas_call(
        _final_body,
        grid=(N // RF,),
        in_specs=[
            pl.BlockSpec((NC, RF, D), lambda i: (0, i, 0)),
            pl.BlockSpec((RF, D), lambda i: (i, 0)),
            pl.BlockSpec((RF, D), lambda i: (i, 0)),
            pl.BlockSpec((1, D), lambda i: (0, 0)),
        ],
        out_specs=pl.BlockSpec((RF, D), lambda i: (i, 0)),
        out_shape=jax.ShapeDtypeStruct((N, D), jnp.float32),
    )(acc2, g2, dinvb, b2)



def kernel(x, edge_index, W1, b1, W2, b2):
    eflat = edge_index.reshape(2 * E)
    b1r = b1.reshape(1, D)
    b2r = b2.reshape(1, D)

    degp = _get_deg_kernel()(eflat).reshape(NW, NP).T
    g1, dinvb = _mm_scale1(degp, x, W1)
    acc1 = _get_agg_kernel()(g1, eflat)
    g2 = _mid(acc1, g1, dinvb, W2, b1r)
    acc2 = _get_agg_kernel()(g2, eflat)
    return _final(acc2, g2, dinvb, b2r)

# --- scband reference (transcript-rebuilt; emitter-appended) ---
"""Pipeline reference for scband-simple-gcn-19911468384532 (READ-ONLY COPY).

The authoritative reference and input builder live on the scoring server;
editing this copy changes nothing except your own understanding.
"""

import jax, jax.numpy as jnp
import numpy as np

N = 10000
E = 320000
DIN = 128
DH = 128
DOUT = 128

def setup_inputs(seed: int = 0) -> dict:
    key = jax.random.key(seed)
    k1, k2, k3, k4 = jax.random.split(key, 4)
    x = jax.random.normal(k1, (N, DIN), dtype=jnp.float32)
    edge_index = jax.random.randint(k2, (2, E), 0, N, dtype=jnp.int32)
    W1 = jax.random.normal(k3, (DIN, DH), dtype=jnp.float32) * (1.0 / np.sqrt(DIN))
    b1 = jnp.zeros((DH,), dtype=jnp.float32)
    W2 = jax.random.normal(k4, (DH, DOUT), dtype=jnp.float32) * (1.0 / np.sqrt(DH))
    b2 = jnp.zeros((DOUT,), dtype=jnp.float32)
    return {"x": x, "edge_index": edge_index, "W1": W1, "b1": b1, "W2": W2, "b2": b2}

def gcn_conv(x, edge_index, W, b):
    # GCNConv: add self-loops, symmetric normalization D^-1/2 (A+I) D^-1/2 X W + b
    n = x.shape[0]
    src = edge_index[0]
    dst = edge_index[1]
    loop = jnp.arange(n, dtype=src.dtype)
    src = jnp.concatenate([src, loop])
    dst = jnp.concatenate([dst, loop])
    h = x @ W
    deg = jax.ops.segment_sum(jnp.ones_like(dst, dtype=h.dtype), dst, num_segments=n)
    dinv = jnp.where(deg > 0, 1.0 / jnp.sqrt(deg), 0.0)
    norm = dinv[src] * dinv[dst]
    msg = h[src] * norm[:, None]
    out = jax.ops.segment_sum(msg, dst, num_segments=n)
    return out + b

def reference(x, edge_index, W1, b1, W2, b2):
    # dropout is identity in eval mode
    h = gcn_conv(x, edge_index, W1, b1)
    h = jax.nn.relu(h)
    h = gcn_conv(h, edge_index, W2, b2)
    return jax.nn.log_softmax(h, axis=1)

if __name__ == "__main__":
    import jax
    _d = setup_inputs()
    print(jax.jit(kernel)(*tuple(_d.values())))

</pallas_src>

<mosaic_0001>
#map = affine_map<(d0, d1) -> (0)>
module attributes {stable_mosaic.version = 14 : i64} {
  func.func @_deg_body(%arg0: i32, %arg1: i32, %arg2: memref<640000xi32, #tpu.memory_space<hbm>>, %arg3: memref<323584xf32, #tpu.memory_space<hbm>>, %arg4: memref<10000xi32, #tpu.memory_space<vmem>>, %arg5: memref<10112xf32, #tpu.memory_space<vmem>>) attributes {dimension_semantics = [#tpu.dimension_semantics<core_parallel>, #tpu.dimension_semantics<subcore_parallel>], iteration_bounds = array<i64: 2, 16>, scalar_prefetch = 0 : i64, scratch_operands = 2 : i64, tpu.core_type = #tpu.core_type<sc_vector_subcore>, window_params = [{transform_indices = #map}, {transform_indices = #map}]} {
    %mul3A = arith.constant 16 : i32
    %mul3A_0 = arith.muli %arg0, %mul3A : i32
    %add3A = arith.addi %mul3A_0, %arg1 : i32
    %broadcast_in_dim3A = arith.constant 0.000000e+00 : f32
    %broadcast_in_dim3A_1 = vector.broadcast %broadcast_in_dim3A : f32 to vector<16xf32>
    %broadcast_in_dim3A_2 = arith.constant 1.000000e+00 : f32
    %broadcast_in_dim3A_3 = vector.broadcast %broadcast_in_dim3A_2 : f32 to vector<16xf32>
    %scan3A = arith.constant 0 : i32
    %scan3A_4 = arith.constant 632 : i32
    %scan3A_5 = arith.addi %scan3A, %scan3A_4 : i32
    %scan3A_6 = arith.constant 1 : i32
    scf.for %scan3A_19 = %scan3A to %scan3A_5 step %scan3A_6  : i32 {
      %mul3A_20 = arith.constant 16 : i32
      %mul3A_21 = arith.muli %scan3A_19, %mul3A_20 : i32
      %swap3A = arith.index_cast %mul3A_21 : i32 to index
      %swap3A_22 = tpu.vector_load %arg5[%swap3A] {strides = array<i32>} : memref<10112xf32, #tpu.memory_space<vmem>>, vector<16xf32>,
      tpu.vector_store %arg5[%swap3A], %broadcast_in_dim3A_1 {strides = array<i32>} : memref<10112xf32, #tpu.memory_space<vmem>>, vector<16xf32>,
    }
    %scan3A_7 = arith.constant 632 : i32
    %mul3A_8 = arith.constant 10000 : i32
    %mul3A_9 = arith.muli %add3A, %mul3A_8 : i32
    %add3A_10 = arith.constant 320000 : i32
    %add3A_11 = arith.addi %add3A_10, %mul3A_9 : i32
    "tpu.region"() ({
      %run_scoped3A = tpu.sem_alloc : memref<!tpu.dma_semaphore, #tpu.memory_space<semaphore_mem>>
      %dma_start3A = tpu.memref_slice %arg2[%add3A_11] : memref<640000xi32, #tpu.memory_space<hbm>> -> memref<10000xi32, #tpu.memory_space<hbm>>
      %dma_start3A_19 = tpu.memref_slice %arg2[%add3A_11] : memref<640000xi32, #tpu.memory_space<hbm>> -> memref<10000xi32, #tpu.memory_space<hbm>>
      tpu.enqueue_dma source(%dma_start3A_19 : memref<10000xi32, #tpu.memory_space<hbm>>) target(%arg4 : memref<10000xi32, #tpu.memory_space<vmem>>) target_semaphore(%run_scoped3A : memref<!tpu.dma_semaphore, #tpu.memory_space<semaphore_mem>>)
      %dma_wait3A = tpu.memref_slice %arg2[%add3A_11] : memref<640000xi32, #tpu.memory_space<hbm>> -> memref<10000xi32, #tpu.memory_space<hbm>>
      %dma_wait3A_20 = tpu.memref_slice %arg2[%add3A_11] : memref<640000xi32, #tpu.memory_space<hbm>> -> memref<10000xi32, #tpu.memory_space<hbm>>
      tpu.wait_dma2 semaphore(%run_scoped3A : memref<!tpu.dma_semaphore, #tpu.memory_space<semaphore_mem>>) src(%dma_wait3A_20 : memref<10000xi32, #tpu.memory_space<hbm>>) dst(%arg4 : memref<10000xi32, #tpu.memory_space<vmem>>)
      tpu.yield
    }) : () -> ()
    %scan3A_12 = arith.constant 0 : i32
    %scan3A_13 = arith.constant 625 : i32
    %scan3A_14 = arith.addi %scan3A_12, %scan3A_13 : i32
    %scan3A_15 = arith.constant 1 : i32
    scf.for %scan3A_19 = %scan3A_12 to %scan3A_14 step %scan3A_15  : i32 {
      %mul3A_20 = arith.constant 16 : i32
      %mul3A_21 = arith.muli %scan3A_19, %mul3A_20 : i32
      %get3A = arith.index_cast %mul3A_21 : i32 to index
      %get3A_22 = tpu.vector_load %arg4[%get3A] {strides = array<i32>} : memref<10000xi32, #tpu.memory_space<vmem>>, vector<16xi32>,
      tpu.vector_store_idx %arg5[%get3A_22], %broadcast_in_dim3A_3 {add = true} : memref<10112xf32, #tpu.memory_space<vmem>>[vector<16xi32>], vector<16xf32>,
    }
    %scan3A_16 = arith.constant 625 : i32
    %mul3A_17 = arith.constant 10112 : i32
    %mul3A_18 = arith.muli %add3A, %mul3A_17 : i32
    "tpu.region"() ({
      %run_scoped3A = tpu.sem_alloc : memref<!tpu.dma_semaphore, #tpu.memory_space<semaphore_mem>>
      %dma_start3A = tpu.memref_slice %arg3[%mul3A_18] : memref<323584xf32, #tpu.memory_space<hbm>> -> memref<10112xf32, #tpu.memory_space<hbm>>
      %dma_start3A_19 = tpu.memref_slice %arg3[%mul3A_18] : memref<323584xf32, #tpu.memory_space<hbm>> -> memref<10112xf32, #tpu.memory_space<hbm>>
      tpu.enqueue_dma source(%arg5 : memref<10112xf32, #tpu.memory_space<vmem>>) target(%dma_start3A_19 : memref<10112xf32, #tpu.memory_space<hbm>>) target_semaphore(%run_scoped3A : memref<!tpu.dma_semaphore, #tpu.memory_space<semaphore_mem>>)
      %dma_wait3A = tpu.memref_slice %arg3[%mul3A_18] : memref<323584xf32, #tpu.memory_space<hbm>> -> memref<10112xf32, #tpu.memory_space<hbm>>
      %dma_wait3A_20 = tpu.memref_slice %arg3[%mul3A_18] : memref<323584xf32, #tpu.memory_space<hbm>> -> memref<10112xf32, #tpu.memory_space<hbm>>
      tpu.wait_dma2 semaphore(%run_scoped3A : memref<!tpu.dma_semaphore, #tpu.memory_space<semaphore_mem>>) src(%arg5 : memref<10112xf32, #tpu.memory_space<vmem>>) dst(%dma_wait3A_20 : memref<10112xf32, #tpu.memory_space<hbm>>)
      tpu.yield
    }) : () -> ()
    return
  }
}

#map = affine_map<(d0, d1) -> (0, 0)>
#map1 = affine_map<(d0, d1) -> (0)>
#map2 = affine_map<(d0, d1) -> (0, 0, 0)>
module attributes {stable_mosaic.version = 14 : i64} {
  func.func @_agg_body(%arg0: i32, %arg1: i32, %arg2: memref<10112x128xf32, #tpu.memory_space<hbm>>, %arg3: memref<640000xi32, #tpu.memory_space<hbm>>, %arg4: memref<2x10112x128xf32, #tpu.memory_space<hbm>>, %arg5: memref<10000xi32, #tpu.memory_space<vmem>>, %arg6: memref<10000xi32, #tpu.memory_space<vmem>>, %arg7: memref<80x128xf32, #tpu.memory_space<vmem>>, %arg8: memref<80x128xf32, #tpu.memory_space<vmem>>, %arg9: memref<!tpu.dma_semaphore, #tpu.memory_space<semaphore_mem>>, %arg10: memref<!tpu.dma_semaphore, #tpu.memory_space<semaphore_mem>>, %arg11: memref<10112x128xf32, #tpu.memory_space<vmem_shared>>) attributes {dimension_semantics = [#tpu.dimension_semantics<core_parallel>, #tpu.dimension_semantics<subcore_parallel>], iteration_bounds = array<i64: 2, 16>, scalar_prefetch = 0 : i64, scratch_operands = 7 : i64, tpu.core_type = #tpu.core_type<sc_vector_subcore>, window_params = [{transform_indices = #map}, {transform_indices = #map1}, {transform_indices = #map2}]} {
    %mul3A = arith.constant 16 : i32
    %mul3A_0 = arith.muli %arg0, %mul3A : i32
    %add3A = arith.addi %mul3A_0, %arg1 : i32
    %mul3A_1 = arith.constant 632 : i32
    %mul3A_2 = arith.muli %arg1, %mul3A_1 : i32
    "tpu.region"() ({
      %run_scoped3A = tpu.sem_alloc : memref<!tpu.dma_semaphore, #tpu.memory_space<semaphore_mem>>
      %dma_start3A_27 = arith.constant 0 : i32
      %dma_start3A_28 = tpu.memref_slice %arg11[%mul3A_2, %dma_start3A_27] : memref<10112x128xf32, #tpu.memory_space<vmem_shared>> -> memref<632x128xf32, #tpu.memory_space<vmem_shared>>
      %dma_start3A_29 = arith.constant 0 : i32
      %dma_start3A_30 = tpu.memref_slice %arg2[%mul3A_2, %dma_start3A_29] : memref<10112x128xf32, #tpu.memory_space<hbm>> -> memref<632x128xf32, #tpu.memory_space<hbm>>
      tpu.enqueue_dma source(%dma_start3A_30 : memref<632x128xf32, #tpu.memory_space<hbm>>) target(%dma_start3A_28 : memref<632x128xf32, #tpu.memory_space<vmem_shared>>) target_semaphore(%run_scoped3A : memref<!tpu.dma_semaphore, #tpu.memory_space<semaphore_mem>>)
      %dma_wait3A_31 = arith.constant 0 : i32
      %dma_wait3A_32 = tpu.memref_slice %arg11[%mul3A_2, %dma_wait3A_31] : memref<10112x128xf32, #tpu.memory_space<vmem_shared>> -> memref<632x128xf32, #tpu.memory_space<vmem_shared>>
      %dma_wait3A_33 = arith.constant 0 : i32
      %dma_wait3A_34 = tpu.memref_slice %arg2[%mul3A_2, %dma_wait3A_33] : memref<10112x128xf32, #tpu.memory_space<hbm>> -> memref<632x128xf32, #tpu.memory_space<hbm>>
      tpu.wait_dma2 semaphore(%run_scoped3A : memref<!tpu.dma_semaphore, #tpu.memory_space<semaphore_mem>>) src(%dma_wait3A_34 : memref<632x128xf32, #tpu.memory_space<hbm>>) dst(%dma_wait3A_32 : memref<632x128xf32, #tpu.memory_space<vmem_shared>>)
      tpu.yield
    }) : () -> ()
    %mul3A_3 = arith.constant 10000 : i32
    %mul3A_4 = arith.muli %add3A, %mul3A_3 : i32
    "tpu.region"() ({
      %run_scoped3A = tpu.sem_alloc : memref<!tpu.dma_semaphore, #tpu.memory_space<semaphore_mem>>
      %dma_start3A_27 = tpu.memref_slice %arg3[%mul3A_4] : memref<640000xi32, #tpu.memory_space<hbm>> -> memref<10000xi32, #tpu.memory_space<hbm>>
      %dma_start3A_28 = tpu.memref_slice %arg3[%mul3A_4] : memref<640000xi32, #tpu.memory_space<hbm>> -> memref<10000xi32, #tpu.memory_space<hbm>>
      tpu.enqueue_dma source(%dma_start3A_28 : memref<10000xi32, #tpu.memory_space<hbm>>) target(%arg5 : memref<10000xi32, #tpu.memory_space<vmem>>) target_semaphore(%run_scoped3A : memref<!tpu.dma_semaphore, #tpu.memory_space<semaphore_mem>>)
      %dma_wait3A_29 = tpu.memref_slice %arg3[%mul3A_4] : memref<640000xi32, #tpu.memory_space<hbm>> -> memref<10000xi32, #tpu.memory_space<hbm>>
      %dma_wait3A_30 = tpu.memref_slice %arg3[%mul3A_4] : memref<640000xi32, #tpu.memory_space<hbm>> -> memref<10000xi32, #tpu.memory_space<hbm>>
      tpu.wait_dma2 semaphore(%run_scoped3A : memref<!tpu.dma_semaphore, #tpu.memory_space<semaphore_mem>>) src(%dma_wait3A_30 : memref<10000xi32, #tpu.memory_space<hbm>>) dst(%arg5 : memref<10000xi32, #tpu.memory_space<vmem>>)
      tpu.yield
    }) : () -> ()
    %mul3A_5 = arith.constant 10000 : i32
    %mul3A_6 = arith.muli %add3A, %mul3A_5 : i32
    %add3A_7 = arith.constant 320000 : i32
    %add3A_8 = arith.addi %add3A_7, %mul3A_6 : i32
    "tpu.region"() ({
      %run_scoped3A = tpu.sem_alloc : memref<!tpu.dma_semaphore, #tpu.memory_space<semaphore_mem>>
      %dma_start3A_27 = tpu.memref_slice %arg3[%add3A_8] : memref<640000xi32, #tpu.memory_space<hbm>> -> memref<10000xi32, #tpu.memory_space<hbm>>
      %dma_start3A_28 = tpu.memref_slice %arg3[%add3A_8] : memref<640000xi32, #tpu.memory_space<hbm>> -> memref<10000xi32, #tpu.memory_space<hbm>>
      tpu.enqueue_dma source(%dma_start3A_28 : memref<10000xi32, #tpu.memory_space<hbm>>) target(%arg6 : memref<10000xi32, #tpu.memory_space<vmem>>) target_semaphore(%run_scoped3A : memref<!tpu.dma_semaphore, #tpu.memory_space<semaphore_mem>>)
      %dma_wait3A_29 = tpu.memref_slice %arg3[%add3A_8] : memref<640000xi32, #tpu.memory_space<hbm>> -> memref<10000xi32, #tpu.memory_space<hbm>>
      %dma_wait3A_30 = tpu.memref_slice %arg3[%add3A_8] : memref<640000xi32, #tpu.memory_space<hbm>> -> memref<10000xi32, #tpu.memory_space<hbm>>
      tpu.wait_dma2 semaphore(%run_scoped3A : memref<!tpu.dma_semaphore, #tpu.memory_space<semaphore_mem>>) src(%dma_wait3A_30 : memref<10000xi32, #tpu.memory_space<hbm>>) dst(%arg6 : memref<10000xi32, #tpu.memory_space<vmem>>)
      tpu.yield
    }) : () -> ()
    %barrier3A = arith.constant 0 : index
    tpu.barrier barrier_id(%barrier3A)
    %dma_start3A = arith.constant 0 : i32
    %dma_start3A_9 = tpu.memref_slice %arg5[%dma_start3A] : memref<10000xi32, #tpu.memory_space<vmem>> -> memref<80xi32, #tpu.memory_space<vmem>>
    %dma_start3A_10 = arith.constant 0 : i32
    %dma_start3A_11 = arith.constant 0 : i32
    %dma_start3A_12 = tpu.memref_slice %arg2[%dma_start3A_10, %dma_start3A_11] : memref<10112x128xf32, #tpu.memory_space<hbm>> -> memref<10112x128xf32, #tpu.memory_space<hbm>>
    tpu.enqueue_indirect_dma source(%dma_start3A_12 : memref<10112x128xf32, #tpu.memory_space<hbm>>) target(%arg7 : memref<80x128xf32, #tpu.memory_space<vmem>>) offsets(%dma_start3A_9 : memref<80xi32, #tpu.memory_space<vmem>>) semaphore(%arg9 : memref<!tpu.dma_semaphore, #tpu.memory_space<semaphore_mem>>)
    %dma_start3A_13 = arith.constant 80 : i32
    %dma_start3A_14 = tpu.memref_slice %arg5[%dma_start3A_13] : memref<10000xi32, #tpu.memory_space<vmem>> -> memref<80xi32, #tpu.memory_space<vmem>>
    %dma_start3A_15 = arith.constant 0 : i32
    %dma_start3A_16 = arith.constant 0 : i32
    %dma_start3A_17 = tpu.memref_slice %arg2[%dma_start3A_15, %dma_start3A_16] : memref<10112x128xf32, #tpu.memory_space<hbm>> -> memref<10112x128xf32, #tpu.memory_space<hbm>>
    tpu.enqueue_indirect_dma source(%dma_start3A_17 : memref<10112x128xf32, #tpu.memory_space<hbm>>) target(%arg8 : memref<80x128xf32, #tpu.memory_space<vmem>>) offsets(%dma_start3A_14 : memref<80xi32, #tpu.memory_space<vmem>>) semaphore(%arg10 : memref<!tpu.dma_semaphore, #tpu.memory_space<semaphore_mem>>)
    %scan3A = arith.constant 0 : i32
    %scan3A_18 = arith.constant 62 : i32
    %scan3A_19 = arith.addi %scan3A, %scan3A_18 : i32
    %scan3A_20 = arith.constant 1 : i32
    scf.for %scan3A_27 = %scan3A to %scan3A_19 step %scan3A_20  : i32 {
      %mul3A_28 = arith.constant 2 : i32
      %mul3A_29 = arith.muli %mul3A_28, %scan3A_27 : i32
      %mul3A_30 = arith.constant 80 : i32
      %mul3A_31 = arith.muli %mul3A_29, %mul3A_30 : i32
      %dma_wait3A_32 = tpu.memref_slice %arg5[%mul3A_31] : memref<10000xi32, #tpu.memory_space<vmem>> -> memref<80xi32, #tpu.memory_space<vmem>>
      %dma_wait3A_33 = arith.constant 0 : i32
      %dma_wait3A_34 = arith.constant 0 : i32
      %dma_wait3A_35 = tpu.memref_slice %arg2[%dma_wait3A_33, %dma_wait3A_34] : memref<10112x128xf32, #tpu.memory_space<hbm>> -> memref<10112x128xf32, #tpu.memory_space<hbm>>
      tpu.wait_indirect_dma semaphore(%arg9 : memref<!tpu.dma_semaphore, #tpu.memory_space<semaphore_mem>>) src(%dma_wait3A_35 : memref<10112x128xf32, #tpu.memory_space<hbm>>) dst(%arg7 : memref<80x128xf32, #tpu.memory_space<vmem>>)
      %mul3A_36 = arith.constant 80 : i32
      %mul3A_37 = arith.muli %mul3A_29, %mul3A_36 : i32
      "tpu.region"() ({
        %run_scoped3A = tpu.sem_alloc : memref<!tpu.dma_semaphore, #tpu.memory_space<semaphore_mem>>
        %dma_start3A_61 = tpu.memref_slice %arg6[%mul3A_37] : memref<10000xi32, #tpu.memory_space<vmem>> -> memref<80xi32, #tpu.memory_space<vmem>>
        %dma_start3A_62 = arith.constant 0 : i32
        %dma_start3A_63 = arith.constant 0 : i32
        %dma_start3A_64 = tpu.memref_slice %arg11[%dma_start3A_62, %dma_start3A_63] : memref<10112x128xf32, #tpu.memory_space<vmem_shared>> -> memref<10112x128xf32, #tpu.memory_space<vmem_shared>>
        tpu.enqueue_indirect_dma source(%arg7 : memref<80x128xf32, #tpu.memory_space<vmem>>) target(%dma_start3A_64 : memref<10112x128xf32, #tpu.memory_space<vmem_shared>>) offsets(%dma_start3A_61 : memref<80xi32, #tpu.memory_space<vmem>>) semaphore(%run_scoped3A : memref<!tpu.dma_semaphore, #tpu.memory_space<semaphore_mem>>) {add = true}
        %dma_wait3A_65 = tpu.memref_slice %arg6[%mul3A_37] : memref<10000xi32, #tpu.memory_space<vmem>> -> memref<80xi32, #tpu.memory_space<vmem>>
        %dma_wait3A_66 = arith.constant 0 : i32
        %dma_wait3A_67 = arith.constant 0 : i32
        %dma_wait3A_68 = tpu.memref_slice %arg11[%dma_wait3A_66, %dma_wait3A_67] : memref<10112x128xf32, #tpu.memory_space<vmem_shared>> -> memref<10112x128xf32, #tpu.memory_space<vmem_shared>>
        tpu.wait_indirect_dma semaphore(%run_scoped3A : memref<!tpu.dma_semaphore, #tpu.memory_space<semaphore_mem>>) src(%arg7 : memref<80x128xf32, #tpu.memory_space<vmem>>) dst(%dma_wait3A_68 : memref<10112x128xf32, #tpu.memory_space<vmem_shared>>)
        tpu.yield
      }) : () -> ()
      %add3A_38 = arith.constant 2 : i32
      %add3A_39 = arith.addi %mul3A_29, %add3A_38 : i32
      %lt3A = arith.constant 125 : i32
      %lt3A_40 = arith.cmpi slt, %add3A_39, %lt3A : i32
      %convert_element_type3A = arith.extui %lt3A_40 : i1 to i32
      %cond3A = arith.constant 0 : i32
      %cond3A_41 = arith.cmpi ne, %convert_element_type3A, %cond3A : i32
      scf.if %cond3A_41 {
        %add3A_61 = arith.constant 2 : i32
        %add3A_62 = arith.addi %mul3A_29, %add3A_61 : i32
        %mul3A_63 = arith.constant 80 : i32
        %mul3A_64 = arith.muli %add3A_62, %mul3A_63 : i32
        %dma_start3A_65 = tpu.memref_slice %arg5[%mul3A_64] : memref<10000xi32, #tpu.memory_space<vmem>> -> memref<80xi32, #tpu.memory_space<vmem>>
        %dma_start3A_66 = arith.constant 0 : i32
        %dma_start3A_67 = arith.constant 0 : i32
        %dma_start3A_68 = tpu.memref_slice %arg2[%dma_start3A_66, %dma_start3A_67] : memref<10112x128xf32, #tpu.memory_space<hbm>> -> memref<10112x128xf32, #tpu.memory_space<hbm>>
        tpu.enqueue_indirect_dma source(%dma_start3A_68 : memref<10112x128xf32, #tpu.memory_space<hbm>>) target(%arg7 : memref<80x128xf32, #tpu.memory_space<vmem>>) offsets(%dma_start3A_65 : memref<80xi32, #tpu.memory_space<vmem>>) semaphore(%arg9 : memref<!tpu.dma_semaphore, #tpu.memory_space<semaphore_mem>>)
      } else {
      }
      %mul3A_42 = arith.constant 2 : i32
      %mul3A_43 = arith.muli %mul3A_42, %scan3A_27 : i32
      %add3A_44 = arith.constant 1 : i32
      %add3A_45 = arith.addi %mul3A_43, %add3A_44 : i32
      %mul3A_46 = arith.constant 80 : i32
      %mul3A_47 = arith.muli %add3A_45, %mul3A_46 : i32
      %dma_wait3A_48 = tpu.memref_slice %arg5[%mul3A_47] : memref<10000xi32, #tpu.memory_space<vmem>> -> memref<80xi32, #tpu.memory_space<vmem>>
      %dma_wait3A_49 = arith.constant 0 : i32
      %dma_wait3A_50 = arith.constant 0 : i32
      %dma_wait3A_51 = tpu.memref_slice %arg2[%dma_wait3A_49, %dma_wait3A_50] : memref<10112x128xf32, #tpu.memory_space<hbm>> -> memref<10112x128xf32, #tpu.memory_space<hbm>>
      tpu.wait_indirect_dma semaphore(%arg10 : memref<!tpu.dma_semaphore, #tpu.memory_space<semaphore_mem>>) src(%dma_wait3A_51 : memref<10112x128xf32, #tpu.memory_space<hbm>>) dst(%arg8 : memref<80x128xf32, #tpu.memory_space<vmem>>)
      %mul3A_52 = arith.constant 80 : i32
      %mul3A_53 = arith.muli %add3A_45, %mul3A_52 : i32
      "tpu.region"() ({
        %run_scoped3A = tpu.sem_alloc : memref<!tpu.dma_semaphore, #tpu.memory_space<semaphore_mem>>
        %dma_start3A_61 = tpu.memref_slice %arg6[%mul3A_53] : memref<10000xi32, #tpu.memory_space<vmem>> -> memref<80xi32, #tpu.memory_space<vmem>>
        %dma_start3A_62 = arith.constant 0 : i32
        %dma_start3A_63 = arith.constant 0 : i32
        %dma_start3A_64 = tpu.memref_slice %arg11[%dma_start3A_62, %dma_start3A_63] : memref<10112x128xf32, #tpu.memory_space<vmem_shared>> -> memref<10112x128xf32, #tpu.memory_space<vmem_shared>>
        tpu.enqueue_indirect_dma source(%arg8 : memref<80x128xf32, #tpu.memory_space<vmem>>) target(%dma_start3A_64 : memref<10112x128xf32, #tpu.memory_space<vmem_shared>>) offsets(%dma_start3A_61 : memref<80xi32, #tpu.memory_space<vmem>>) semaphore(%run_scoped3A : memref<!tpu.dma_semaphore, #tpu.memory_space<semaphore_mem>>) {add = true}
        %dma_wait3A_65 = tpu.memref_slice %arg6[%mul3A_53] : memref<10000xi32, #tpu.memory_space<vmem>> -> memref<80xi32, #tpu.memory_space<vmem>>
        %dma_wait3A_66 = arith.constant 0 : i32
        %dma_wait3A_67 = arith.constant 0 : i32
        %dma_wait3A_68 = tpu.memref_slice %arg11[%dma_wait3A_66, %dma_wait3A_67] : memref<10112x128xf32, #tpu.memory_space<vmem_shared>> -> memref<10112x128xf32, #tpu.memory_space<vmem_shared>>
        tpu.wait_indirect_dma semaphore(%run_scoped3A : memref<!tpu.dma_semaphore, #tpu.memory_space<semaphore_mem>>) src(%arg8 : memref<80x128xf32, #tpu.memory_space<vmem>>) dst(%dma_wait3A_68 : memref<10112x128xf32, #tpu.memory_space<vmem_shared>>)
        tpu.yield
      }) : () -> ()
      %add3A_54 = arith.constant 2 : i32
      %add3A_55 = arith.addi %add3A_45, %add3A_54 : i32
      %lt3A_56 = arith.constant 125 : i32
      %lt3A_57 = arith.cmpi slt, %add3A_55, %lt3A_56 : i32
      %convert_element_type3A_58 = arith.extui %lt3A_57 : i1 to i32
      %cond3A_59 = arith.constant 0 : i32
      %cond3A_60 = arith.cmpi ne, %convert_element_type3A_58, %cond3A_59 : i32
      scf.if %cond3A_60 {
        %add3A_61 = arith.constant 2 : i32
        %add3A_62 = arith.addi %add3A_45, %add3A_61 : i32
        %mul3A_63 = arith.constant 80 : i32
        %mul3A_64 = arith.muli %add3A_62, %mul3A_63 : i32
        %dma_start3A_65 = tpu.memref_slice %arg5[%mul3A_64] : memref<10000xi32, #tpu.memory_space<vmem>> -> memref<80xi32, #tpu.memory_space<vmem>>
        %dma_start3A_66 = arith.constant 0 : i32
        %dma_start3A_67 = arith.constant 0 : i32
        %dma_start3A_68 = tpu.memref_slice %arg2[%dma_start3A_66, %dma_start3A_67] : memref<10112x128xf32, #tpu.memory_space<hbm>> -> memref<10112x128xf32, #tpu.memory_space<hbm>>
        tpu.enqueue_indirect_dma source(%dma_start3A_68 : memref<10112x128xf32, #tpu.memory_space<hbm>>) target(%arg8 : memref<80x128xf32, #tpu.memory_space<vmem>>) offsets(%dma_start3A_65 : memref<80xi32, #tpu.memory_space<vmem>>) semaphore(%arg10 : memref<!tpu.dma_semaphore, #tpu.memory_space<semaphore_mem>>)
      } else {
      }
    }
    %scan3A_21 = arith.constant 62 : i32
    %dma_wait3A = arith.constant 9920 : i32
    %dma_wait3A_22 = tpu.memref_slice %arg5[%dma_wait3A] : memref<10000xi32, #tpu.memory_space<vmem>> -> memref<80xi32, #tpu.memory_space<vmem>>
    %dma_wait3A_23 = arith.constant 0 : i32
    %dma_wait3A_24 = arith.constant 0 : i32
    %dma_wait3A_25 = tpu.memref_slice %arg2[%dma_wait3A_23, %dma_wait3A_24] : memref<10112x128xf32, #tpu.memory_space<hbm>> -> memref<10112x128xf32, #tpu.memory_space<hbm>>
    tpu.wait_indirect_dma semaphore(%arg9 : memref<!tpu.dma_semaphore, #tpu.memory_space<semaphore_mem>>) src(%dma_wait3A_25 : memref<10112x128xf32, #tpu.memory_space<hbm>>) dst(%arg7 : memref<80x128xf32, #tpu.memory_space<vmem>>)
    "tpu.region"() ({
      %run_scoped3A = tpu.sem_alloc : memref<!tpu.dma_semaphore, #tpu.memory_space<semaphore_mem>>
      %dma_start3A_27 = arith.constant 9920 : i32
      %dma_start3A_28 = tpu.memref_slice %arg6[%dma_start3A_27] : memref<10000xi32, #tpu.memory_space<vmem>> -> memref<80xi32, #tpu.memory_space<vmem>>
      %dma_start3A_29 = arith.constant 0 : i32
      %dma_start3A_30 = arith.constant 0 : i32
      %dma_start3A_31 = tpu.memref_slice %arg11[%dma_start3A_29, %dma_start3A_30] : memref<10112x128xf32, #tpu.memory_space<vmem_shared>> -> memref<10112x128xf32, #tpu.memory_space<vmem_shared>>
      tpu.enqueue_indirect_dma source(%arg7 : memref<80x128xf32, #tpu.memory_space<vmem>>) target(%dma_start3A_31 : memref<10112x128xf32, #tpu.memory_space<vmem_shared>>) offsets(%dma_start3A_28 : memref<80xi32, #tpu.memory_space<vmem>>) semaphore(%run_scoped3A : memref<!tpu.dma_semaphore, #tpu.memory_space<semaphore_mem>>) {add = true}
      %dma_wait3A_32 = arith.constant 9920 : i32
      %dma_wait3A_33 = tpu.memref_slice %arg6[%dma_wait3A_32] : memref<10000xi32, #tpu.memory_space<vmem>> -> memref<80xi32, #tpu.memory_space<vmem>>
      %dma_wait3A_34 = arith.constant 0 : i32
      %dma_wait3A_35 = arith.constant 0 : i32
      %dma_wait3A_36 = tpu.memref_slice %arg11[%dma_wait3A_34, %dma_wait3A_35] : memref<10112x128xf32, #tpu.memory_space<vmem_shared>> -> memref<10112x128xf32, #tpu.memory_space<vmem_shared>>
      tpu.wait_indirect_dma semaphore(%run_scoped3A : memref<!tpu.dma_semaphore, #tpu.memory_space<semaphore_mem>>) src(%arg7 : memref<80x128xf32, #tpu.memory_space<vmem>>) dst(%dma_wait3A_36 : memref<10112x128xf32, #tpu.memory_space<vmem_shared>>)
      tpu.yield
    }) : () -> ()
    %barrier3A_26 = arith.constant 0 : index
    tpu.barrier barrier_id(%barrier3A_26)
    "tpu.region"() ({
      %run_scoped3A = tpu.sem_alloc : memref<!tpu.dma_semaphore, #tpu.memory_space<semaphore_mem>>
      %dma_start3A_27 = arith.constant 0 : i32
      %dma_start3A_28 = tpu.memref_slice %arg4[%arg0, %mul3A_2, %dma_start3A_27] : memref<2x10112x128xf32, #tpu.memory_space<hbm>> -> memref<1x632x128xf32, #tpu.memory_space<hbm>>
      %dma_start3A_29 = tpu.memref_squeeze %dma_start3A_28 : memref<1x632x128xf32, #tpu.memory_space<hbm>> -> memref<632x128xf32, #tpu.memory_space<hbm>>
      %dma_start3A_30 = arith.constant 0 : i32
      %dma_start3A_31 = tpu.memref_slice %arg11[%mul3A_2, %dma_start3A_30] : memref<10112x128xf32, #tpu.memory_space<vmem_shared>> -> memref<632x128xf32, #tpu.memory_space<vmem_shared>>
      tpu.enqueue_dma source(%dma_start3A_31 : memref<632x128xf32, #tpu.memory_space<vmem_shared>>) target(%dma_start3A_29 : memref<632x128xf32, #tpu.memory_space<hbm>>) target_semaphore(%run_scoped3A : memref<!tpu.dma_semaphore, #tpu.memory_space<semaphore_mem>>)
      %dma_wait3A_32 = arith.constant 0 : i32
      %dma_wait3A_33 = tpu.memref_slice %arg4[%arg0, %mul3A_2, %dma_wait3A_32] : memref<2x10112x128xf32, #tpu.memory_space<hbm>> -> memref<1x632x128xf32, #tpu.memory_space<hbm>>
      %dma_wait3A_34 = tpu.memref_squeeze %dma_wait3A_33 : memref<1x632x128xf32, #tpu.memory_space<hbm>> -> memref<632x128xf32, #tpu.memory_space<hbm>>
      %dma_wait3A_35 = arith.constant 0 : i32
      %dma_wait3A_36 = tpu.memref_slice %arg11[%mul3A_2, %dma_wait3A_35] : memref<10112x128xf32, #tpu.memory_space<vmem_shared>> -> memref<632x128xf32, #tpu.memory_space<vmem_shared>>
      tpu.wait_dma2 semaphore(%run_scoped3A : memref<!tpu.dma_semaphore, #tpu.memory_space<semaphore_mem>>) src(%dma_wait3A_36 : memref<632x128xf32, #tpu.memory_space<vmem_shared>>) dst(%dma_wait3A_34 : memref<632x128xf32, #tpu.memory_space<hbm>>)
      tpu.yield
    }) : () -> ()
    return
  }
}

#map = affine_map<(d0, d1) -> (0, 0)>
#map1 = affine_map<(d0, d1) -> (0)>
#map2 = affine_map<(d0, d1) -> (0, 0, 0)>
module attributes {stable_mosaic.version = 14 : i64} {
  func.func @_agg_body(%arg0: i32, %arg1: i32, %arg2: memref<10112x128xf32, #tpu.memory_space<hbm>>, %arg3: memref<640000xi32, #tpu.memory_space<hbm>>, %arg4: memref<2x10112x128xf32, #tpu.memory_space<hbm>>, %arg5: memref<10000xi32, #tpu.memory_space<vmem>>, %arg6: memref<10000xi32, #tpu.memory_space<vmem>>, %arg7: memref<80x128xf32, #tpu.memory_space<vmem>>, %arg8: memref<80x128xf32, #tpu.memory_space<vmem>>, %arg9: memref<!tpu.dma_semaphore, #tpu.memory_space<semaphore_mem>>, %arg10: memref<!tpu.dma_semaphore, #tpu.memory_space<semaphore_mem>>, %arg11: memref<10112x128xf32, #tpu.memory_space<vmem_shared>>) attributes {dimension_semantics = [#tpu.dimension_semantics<core_parallel>, #tpu.dimension_semantics<subcore_parallel>], iteration_bounds = array<i64: 2, 16>, scalar_prefetch = 0 : i64, scratch_operands = 7 : i64, tpu.core_type = #tpu.core_type<sc_vector_subcore>, window_params = [{transform_indices = #map}, {transform_indices = #map1}, {transform_indices = #map2}]} {
    %mul3A = arith.constant 16 : i32
    %mul3A_0 = arith.muli %arg0, %mul3A : i32
    %add3A = arith.addi %mul3A_0, %arg1 : i32
    %mul3A_1 = arith.constant 632 : i32
    %mul3A_2 = arith.muli %arg1, %mul3A_1 : i32
    "tpu.region"() ({
      %run_scoped3A = tpu.sem_alloc : memref<!tpu.dma_semaphore, #tpu.memory_space<semaphore_mem>>
      %dma_start3A_27 = arith.constant 0 : i32
      %dma_start3A_28 = tpu.memref_slice %arg11[%mul3A_2, %dma_start3A_27] : memref<10112x128xf32, #tpu.memory_space<vmem_shared>> -> memref<632x128xf32, #tpu.memory_space<vmem_shared>>
      %dma_start3A_29 = arith.constant 0 : i32
      %dma_start3A_30 = tpu.memref_slice %arg2[%mul3A_2, %dma_start3A_29] : memref<10112x128xf32, #tpu.memory_space<hbm>> -> memref<632x128xf32, #tpu.memory_space<hbm>>
      tpu.enqueue_dma source(%dma_start3A_30 : memref<632x128xf32, #tpu.memory_space<hbm>>) target(%dma_start3A_28 : memref<632x128xf32, #tpu.memory_space<vmem_shared>>) target_semaphore(%run_scoped3A : memref<!tpu.dma_semaphore, #tpu.memory_space<semaphore_mem>>)
      %dma_wait3A_31 = arith.constant 0 : i32
      %dma_wait3A_32 = tpu.memref_slice %arg11[%mul3A_2, %dma_wait3A_31] : memref<10112x128xf32, #tpu.memory_space<vmem_shared>> -> memref<632x128xf32, #tpu.memory_space<vmem_shared>>
      %dma_wait3A_33 = arith.constant 0 : i32
      %dma_wait3A_34 = tpu.memref_slice %arg2[%mul3A_2, %dma_wait3A_33] : memref<10112x128xf32, #tpu.memory_space<hbm>> -> memref<632x128xf32, #tpu.memory_space<hbm>>
      tpu.wait_dma2 semaphore(%run_scoped3A : memref<!tpu.dma_semaphore, #tpu.memory_space<semaphore_mem>>) src(%dma_wait3A_34 : memref<632x128xf32, #tpu.memory_space<hbm>>) dst(%dma_wait3A_32 : memref<632x128xf32, #tpu.memory_space<vmem_shared>>)
      tpu.yield
    }) : () -> ()
    %mul3A_3 = arith.constant 10000 : i32
    %mul3A_4 = arith.muli %add3A, %mul3A_3 : i32
    "tpu.region"() ({
      %run_scoped3A = tpu.sem_alloc : memref<!tpu.dma_semaphore, #tpu.memory_space<semaphore_mem>>
      %dma_start3A_27 = tpu.memref_slice %arg3[%mul3A_4] : memref<640000xi32, #tpu.memory_space<hbm>> -> memref<10000xi32, #tpu.memory_space<hbm>>
      %dma_start3A_28 = tpu.memref_slice %arg3[%mul3A_4] : memref<640000xi32, #tpu.memory_space<hbm>> -> memref<10000xi32, #tpu.memory_space<hbm>>
      tpu.enqueue_dma source(%dma_start3A_28 : memref<10000xi32, #tpu.memory_space<hbm>>) target(%arg5 : memref<10000xi32, #tpu.memory_space<vmem>>) target_semaphore(%run_scoped3A : memref<!tpu.dma_semaphore, #tpu.memory_space<semaphore_mem>>)
      %dma_wait3A_29 = tpu.memref_slice %arg3[%mul3A_4] : memref<640000xi32, #tpu.memory_space<hbm>> -> memref<10000xi32, #tpu.memory_space<hbm>>
      %dma_wait3A_30 = tpu.memref_slice %arg3[%mul3A_4] : memref<640000xi32, #tpu.memory_space<hbm>> -> memref<10000xi32, #tpu.memory_space<hbm>>
      tpu.wait_dma2 semaphore(%run_scoped3A : memref<!tpu.dma_semaphore, #tpu.memory_space<semaphore_mem>>) src(%dma_wait3A_30 : memref<10000xi32, #tpu.memory_space<hbm>>) dst(%arg5 : memref<10000xi32, #tpu.memory_space<vmem>>)
      tpu.yield
    }) : () -> ()
    %mul3A_5 = arith.constant 10000 : i32
    %mul3A_6 = arith.muli %add3A, %mul3A_5 : i32
    %add3A_7 = arith.constant 320000 : i32
    %add3A_8 = arith.addi %add3A_7, %mul3A_6 : i32
    "tpu.region"() ({
      %run_scoped3A = tpu.sem_alloc : memref<!tpu.dma_semaphore, #tpu.memory_space<semaphore_mem>>
      %dma_start3A_27 = tpu.memref_slice %arg3[%add3A_8] : memref<640000xi32, #tpu.memory_space<hbm>> -> memref<10000xi32, #tpu.memory_space<hbm>>
      %dma_start3A_28 = tpu.memref_slice %arg3[%add3A_8] : memref<640000xi32, #tpu.memory_space<hbm>> -> memref<10000xi32, #tpu.memory_space<hbm>>
      tpu.enqueue_dma source(%dma_start3A_28 : memref<10000xi32, #tpu.memory_space<hbm>>) target(%arg6 : memref<10000xi32, #tpu.memory_space<vmem>>) target_semaphore(%run_scoped3A : memref<!tpu.dma_semaphore, #tpu.memory_space<semaphore_mem>>)
      %dma_wait3A_29 = tpu.memref_slice %arg3[%add3A_8] : memref<640000xi32, #tpu.memory_space<hbm>> -> memref<10000xi32, #tpu.memory_space<hbm>>
      %dma_wait3A_30 = tpu.memref_slice %arg3[%add3A_8] : memref<640000xi32, #tpu.memory_space<hbm>> -> memref<10000xi32, #tpu.memory_space<hbm>>
      tpu.wait_dma2 semaphore(%run_scoped3A : memref<!tpu.dma_semaphore, #tpu.memory_space<semaphore_mem>>) src(%dma_wait3A_30 : memref<10000xi32, #tpu.memory_space<hbm>>) dst(%arg6 : memref<10000xi32, #tpu.memory_space<vmem>>)
      tpu.yield
    }) : () -> ()
    %barrier3A = arith.constant 0 : index
    tpu.barrier barrier_id(%barrier3A)
    %dma_start3A = arith.constant 0 : i32
    %dma_start3A_9 = tpu.memref_slice %arg5[%dma_start3A] : memref<10000xi32, #tpu.memory_space<vmem>> -> memref<80xi32, #tpu.memory_space<vmem>>
    %dma_start3A_10 = arith.constant 0 : i32
    %dma_start3A_11 = arith.constant 0 : i32
    %dma_start3A_12 = tpu.memref_slice %arg2[%dma_start3A_10, %dma_start3A_11] : memref<10112x128xf32, #tpu.memory_space<hbm>> -> memref<10112x128xf32, #tpu.memory_space<hbm>>
    tpu.enqueue_indirect_dma source(%dma_start3A_12 : memref<10112x128xf32, #tpu.memory_space<hbm>>) target(%arg7 : memref<80x128xf32, #tpu.memory_space<vmem>>) offsets(%dma_start3A_9 : memref<80xi32, #tpu.memory_space<vmem>>) semaphore(%arg9 : memref<!tpu.dma_semaphore, #tpu.memory_space<semaphore_mem>>)
    %dma_start3A_13 = arith.constant 80 : i32
    %dma_start3A_14 = tpu.memref_slice %arg5[%dma_start3A_13] : memref<10000xi32, #tpu.memory_space<vmem>> -> memref<80xi32, #tpu.memory_space<vmem>>
    %dma_start3A_15 = arith.constant 0 : i32
    %dma_start3A_16 = arith.constant 0 : i32
    %dma_start3A_17 = tpu.memref_slice %arg2[%dma_start3A_15, %dma_start3A_16] : memref<10112x128xf32, #tpu.memory_space<hbm>> -> memref<10112x128xf32, #tpu.memory_space<hbm>>
    tpu.enqueue_indirect_dma source(%dma_start3A_17 : memref<10112x128xf32, #tpu.memory_space<hbm>>) target(%arg8 : memref<80x128xf32, #tpu.memory_space<vmem>>) offsets(%dma_start3A_14 : memref<80xi32, #tpu.memory_space<vmem>>) semaphore(%arg10 : memref<!tpu.dma_semaphore, #tpu.memory_space<semaphore_mem>>)
    %scan3A = arith.constant 0 : i32
    %scan3A_18 = arith.constant 62 : i32
    %scan3A_19 = arith.addi %scan3A, %scan3A_18 : i32
    %scan3A_20 = arith.constant 1 : i32
    scf.for %scan3A_27 = %scan3A to %scan3A_19 step %scan3A_20  : i32 {
      %mul3A_28 = arith.constant 2 : i32
      %mul3A_29 = arith.muli %mul3A_28, %scan3A_27 : i32
      %mul3A_30 = arith.constant 80 : i32
      %mul3A_31 = arith.muli %mul3A_29, %mul3A_30 : i32
      %dma_wait3A_32 = tpu.memref_slice %arg5[%mul3A_31] : memref<10000xi32, #tpu.memory_space<vmem>> -> memref<80xi32, #tpu.memory_space<vmem>>
      %dma_wait3A_33 = arith.constant 0 : i32
      %dma_wait3A_34 = arith.constant 0 : i32
      %dma_wait3A_35 = tpu.memref_slice %arg2[%dma_wait3A_33, %dma_wait3A_34] : memref<10112x128xf32, #tpu.memory_space<hbm>> -> memref<10112x128xf32, #tpu.memory_space<hbm>>
      tpu.wait_indirect_dma semaphore(%arg9 : memref<!tpu.dma_semaphore, #tpu.memory_space<semaphore_mem>>) src(%dma_wait3A_35 : memref<10112x128xf32, #tpu.memory_space<hbm>>) dst(%arg7 : memref<80x128xf32, #tpu.memory_space<vmem>>)
      %mul3A_36 = arith.constant 80 : i32
      %mul3A_37 = arith.muli %mul3A_29, %mul3A_36 : i32
      "tpu.region"() ({
        %run_scoped3A = tpu.sem_alloc : memref<!tpu.dma_semaphore, #tpu.memory_space<semaphore_mem>>
        %dma_start3A_61 = tpu.memref_slice %arg6[%mul3A_37] : memref<10000xi32, #tpu.memory_space<vmem>> -> memref<80xi32, #tpu.memory_space<vmem>>
        %dma_start3A_62 = arith.constant 0 : i32
        %dma_start3A_63 = arith.constant 0 : i32
        %dma_start3A_64 = tpu.memref_slice %arg11[%dma_start3A_62, %dma_start3A_63] : memref<10112x128xf32, #tpu.memory_space<vmem_shared>> -> memref<10112x128xf32, #tpu.memory_space<vmem_shared>>
        tpu.enqueue_indirect_dma source(%arg7 : memref<80x128xf32, #tpu.memory_space<vmem>>) target(%dma_start3A_64 : memref<10112x128xf32, #tpu.memory_space<vmem_shared>>) offsets(%dma_start3A_61 : memref<80xi32, #tpu.memory_space<vmem>>) semaphore(%run_scoped3A : memref<!tpu.dma_semaphore, #tpu.memory_space<semaphore_mem>>) {add = true}
        %dma_wait3A_65 = tpu.memref_slice %arg6[%mul3A_37] : memref<10000xi32, #tpu.memory_space<vmem>> -> memref<80xi32, #tpu.memory_space<vmem>>
        %dma_wait3A_66 = arith.constant 0 : i32
        %dma_wait3A_67 = arith.constant 0 : i32
        %dma_wait3A_68 = tpu.memref_slice %arg11[%dma_wait3A_66, %dma_wait3A_67] : memref<10112x128xf32, #tpu.memory_space<vmem_shared>> -> memref<10112x128xf32, #tpu.memory_space<vmem_shared>>
        tpu.wait_indirect_dma semaphore(%run_scoped3A : memref<!tpu.dma_semaphore, #tpu.memory_space<semaphore_mem>>) src(%arg7 : memref<80x128xf32, #tpu.memory_space<vmem>>) dst(%dma_wait3A_68 : memref<10112x128xf32, #tpu.memory_space<vmem_shared>>)
        tpu.yield
      }) : () -> ()
      %add3A_38 = arith.constant 2 : i32
      %add3A_39 = arith.addi %mul3A_29, %add3A_38 : i32
      %lt3A = arith.constant 125 : i32
      %lt3A_40 = arith.cmpi slt, %add3A_39, %lt3A : i32
      %convert_element_type3A = arith.extui %lt3A_40 : i1 to i32
      %cond3A = arith.constant 0 : i32
      %cond3A_41 = arith.cmpi ne, %convert_element_type3A, %cond3A : i32
      scf.if %cond3A_41 {
        %add3A_61 = arith.constant 2 : i32
        %add3A_62 = arith.addi %mul3A_29, %add3A_61 : i32
        %mul3A_63 = arith.constant 80 : i32
        %mul3A_64 = arith.muli %add3A_62, %mul3A_63 : i32
        %dma_start3A_65 = tpu.memref_slice %arg5[%mul3A_64] : memref<10000xi32, #tpu.memory_space<vmem>> -> memref<80xi32, #tpu.memory_space<vmem>>
        %dma_start3A_66 = arith.constant 0 : i32
        %dma_start3A_67 = arith.constant 0 : i32
        %dma_start3A_68 = tpu.memref_slice %arg2[%dma_start3A_66, %dma_start3A_67] : memref<10112x128xf32, #tpu.memory_space<hbm>> -> memref<10112x128xf32, #tpu.memory_space<hbm>>
        tpu.enqueue_indirect_dma source(%dma_start3A_68 : memref<10112x128xf32, #tpu.memory_space<hbm>>) target(%arg7 : memref<80x128xf32, #tpu.memory_space<vmem>>) offsets(%dma_start3A_65 : memref<80xi32, #tpu.memory_space<vmem>>) semaphore(%arg9 : memref<!tpu.dma_semaphore, #tpu.memory_space<semaphore_mem>>)
      } else {
      }
      %mul3A_42 = arith.constant 2 : i32
      %mul3A_43 = arith.muli %mul3A_42, %scan3A_27 : i32
      %add3A_44 = arith.constant 1 : i32
      %add3A_45 = arith.addi %mul3A_43, %add3A_44 : i32
      %mul3A_46 = arith.constant 80 : i32
      %mul3A_47 = arith.muli %add3A_45, %mul3A_46 : i32
      %dma_wait3A_48 = tpu.memref_slice %arg5[%mul3A_47] : memref<10000xi32, #tpu.memory_space<vmem>> -> memref<80xi32, #tpu.memory_space<vmem>>
      %dma_wait3A_49 = arith.constant 0 : i32
      %dma_wait3A_50 = arith.constant 0 : i32
      %dma_wait3A_51 = tpu.memref_slice %arg2[%dma_wait3A_49, %dma_wait3A_50] : memref<10112x128xf32, #tpu.memory_space<hbm>> -> memref<10112x128xf32, #tpu.memory_space<hbm>>
      tpu.wait_indirect_dma semaphore(%arg10 : memref<!tpu.dma_semaphore, #tpu.memory_space<semaphore_mem>>) src(%dma_wait3A_51 : memref<10112x128xf32, #tpu.memory_space<hbm>>) dst(%arg8 : memref<80x128xf32, #tpu.memory_space<vmem>>)
      %mul3A_52 = arith.constant 80 : i32
      %mul3A_53 = arith.muli %add3A_45, %mul3A_52 : i32
      "tpu.region"() ({
        %run_scoped3A = tpu.sem_alloc : memref<!tpu.dma_semaphore, #tpu.memory_space<semaphore_mem>>
        %dma_start3A_61 = tpu.memref_slice %arg6[%mul3A_53] : memref<10000xi32, #tpu.memory_space<vmem>> -> memref<80xi32, #tpu.memory_space<vmem>>
        %dma_start3A_62 = arith.constant 0 : i32
        %dma_start3A_63 = arith.constant 0 : i32
        %dma_start3A_64 = tpu.memref_slice %arg11[%dma_start3A_62, %dma_start3A_63] : memref<10112x128xf32, #tpu.memory_space<vmem_shared>> -> memref<10112x128xf32, #tpu.memory_space<vmem_shared>>
        tpu.enqueue_indirect_dma source(%arg8 : memref<80x128xf32, #tpu.memory_space<vmem>>) target(%dma_start3A_64 : memref<10112x128xf32, #tpu.memory_space<vmem_shared>>) offsets(%dma_start3A_61 : memref<80xi32, #tpu.memory_space<vmem>>) semaphore(%run_scoped3A : memref<!tpu.dma_semaphore, #tpu.memory_space<semaphore_mem>>) {add = true}
        %dma_wait3A_65 = tpu.memref_slice %arg6[%mul3A_53] : memref<10000xi32, #tpu.memory_space<vmem>> -> memref<80xi32, #tpu.memory_space<vmem>>
        %dma_wait3A_66 = arith.constant 0 : i32
        %dma_wait3A_67 = arith.constant 0 : i32
        %dma_wait3A_68 = tpu.memref_slice %arg11[%dma_wait3A_66, %dma_wait3A_67] : memref<10112x128xf32, #tpu.memory_space<vmem_shared>> -> memref<10112x128xf32, #tpu.memory_space<vmem_shared>>
        tpu.wait_indirect_dma semaphore(%run_scoped3A : memref<!tpu.dma_semaphore, #tpu.memory_space<semaphore_mem>>) src(%arg8 : memref<80x128xf32, #tpu.memory_space<vmem>>) dst(%dma_wait3A_68 : memref<10112x128xf32, #tpu.memory_space<vmem_shared>>)
        tpu.yield
      }) : () -> ()
      %add3A_54 = arith.constant 2 : i32
      %add3A_55 = arith.addi %add3A_45, %add3A_54 : i32
      %lt3A_56 = arith.constant 125 : i32
      %lt3A_57 = arith.cmpi slt, %add3A_55, %lt3A_56 : i32
      %convert_element_type3A_58 = arith.extui %lt3A_57 : i1 to i32
      %cond3A_59 = arith.constant 0 : i32
      %cond3A_60 = arith.cmpi ne, %convert_element_type3A_58, %cond3A_59 : i32
      scf.if %cond3A_60 {
        %add3A_61 = arith.constant 2 : i32
        %add3A_62 = arith.addi %add3A_45, %add3A_61 : i32
        %mul3A_63 = arith.constant 80 : i32
        %mul3A_64 = arith.muli %add3A_62, %mul3A_63 : i32
        %dma_start3A_65 = tpu.memref_slice %arg5[%mul3A_64] : memref<10000xi32, #tpu.memory_space<vmem>> -> memref<80xi32, #tpu.memory_space<vmem>>
        %dma_start3A_66 = arith.constant 0 : i32
        %dma_start3A_67 = arith.constant 0 : i32
        %dma_start3A_68 = tpu.memref_slice %arg2[%dma_start3A_66, %dma_start3A_67] : memref<10112x128xf32, #tpu.memory_space<hbm>> -> memref<10112x128xf32, #tpu.memory_space<hbm>>
        tpu.enqueue_indirect_dma source(%dma_start3A_68 : memref<10112x128xf32, #tpu.memory_space<hbm>>) target(%arg8 : memref<80x128xf32, #tpu.memory_space<vmem>>) offsets(%dma_start3A_65 : memref<80xi32, #tpu.memory_space<vmem>>) semaphore(%arg10 : memref<!tpu.dma_semaphore, #tpu.memory_space<semaphore_mem>>)
      } else {
      }
    }
    %scan3A_21 = arith.constant 62 : i32
    %dma_wait3A = arith.constant 9920 : i32
    %dma_wait3A_22 = tpu.memref_slice %arg5[%dma_wait3A] : memref<10000xi32, #tpu.memory_space<vmem>> -> memref<80xi32, #tpu.memory_space<vmem>>
    %dma_wait3A_23 = arith.constant 0 : i32
    %dma_wait3A_24 = arith.constant 0 : i32
    %dma_wait3A_25 = tpu.memref_slice %arg2[%dma_wait3A_23, %dma_wait3A_24] : memref<10112x128xf32, #tpu.memory_space<hbm>> -> memref<10112x128xf32, #tpu.memory_space<hbm>>
    tpu.wait_indirect_dma semaphore(%arg9 : memref<!tpu.dma_semaphore, #tpu.memory_space<semaphore_mem>>) src(%dma_wait3A_25 : memref<10112x128xf32, #tpu.memory_space<hbm>>) dst(%arg7 : memref<80x128xf32, #tpu.memory_space<vmem>>)
    "tpu.region"() ({
      %run_scoped3A = tpu.sem_alloc : memref<!tpu.dma_semaphore, #tpu.memory_space<semaphore_mem>>
      %dma_start3A_27 = arith.constant 9920 : i32
      %dma_start3A_28 = tpu.memref_slice %arg6[%dma_start3A_27] : memref<10000xi32, #tpu.memory_space<vmem>> -> memref<80xi32, #tpu.memory_space<vmem>>
      %dma_start3A_29 = arith.constant 0 : i32
      %dma_start3A_30 = arith.constant 0 : i32
      %dma_start3A_31 = tpu.memref_slice %arg11[%dma_start3A_29, %dma_start3A_30] : memref<10112x128xf32, #tpu.memory_space<vmem_shared>> -> memref<10112x128xf32, #tpu.memory_space<vmem_shared>>
      tpu.enqueue_indirect_dma source(%arg7 : memref<80x128xf32, #tpu.memory_space<vmem>>) target(%dma_start3A_31 : memref<10112x128xf32, #tpu.memory_space<vmem_shared>>) offsets(%dma_start3A_28 : memref<80xi32, #tpu.memory_space<vmem>>) semaphore(%run_scoped3A : memref<!tpu.dma_semaphore, #tpu.memory_space<semaphore_mem>>) {add = true}
      %dma_wait3A_32 = arith.constant 9920 : i32
      %dma_wait3A_33 = tpu.memref_slice %arg6[%dma_wait3A_32] : memref<10000xi32, #tpu.memory_space<vmem>> -> memref<80xi32, #tpu.memory_space<vmem>>
      %dma_wait3A_34 = arith.constant 0 : i32
      %dma_wait3A_35 = arith.constant 0 : i32
      %dma_wait3A_36 = tpu.memref_slice %arg11[%dma_wait3A_34, %dma_wait3A_35] : memref<10112x128xf32, #tpu.memory_space<vmem_shared>> -> memref<10112x128xf32, #tpu.memory_space<vmem_shared>>
      tpu.wait_indirect_dma semaphore(%run_scoped3A : memref<!tpu.dma_semaphore, #tpu.memory_space<semaphore_mem>>) src(%arg7 : memref<80x128xf32, #tpu.memory_space<vmem>>) dst(%dma_wait3A_36 : memref<10112x128xf32, #tpu.memory_space<vmem_shared>>)
      tpu.yield
    }) : () -> ()
    %barrier3A_26 = arith.constant 0 : index
    tpu.barrier barrier_id(%barrier3A_26)
    "tpu.region"() ({
      %run_scoped3A = tpu.sem_alloc : memref<!tpu.dma_semaphore, #tpu.memory_space<semaphore_mem>>
      %dma_start3A_27 = arith.constant 0 : i32
      %dma_start3A_28 = tpu.memref_slice %arg4[%arg0, %mul3A_2, %dma_start3A_27] : memref<2x10112x128xf32, #tpu.memory_space<hbm>> -> memref<1x632x128xf32, #tpu.memory_space<hbm>>
      %dma_start3A_29 = tpu.memref_squeeze %dma_start3A_28 : memref<1x632x128xf32, #tpu.memory_space<hbm>> -> memref<632x128xf32, #tpu.memory_space<hbm>>
      %dma_start3A_30 = arith.constant 0 : i32
      %dma_start3A_31 = tpu.memref_slice %arg11[%mul3A_2, %dma_start3A_30] : memref<10112x128xf32, #tpu.memory_space<vmem_shared>> -> memref<632x128xf32, #tpu.memory_space<vmem_shared>>
      tpu.enqueue_dma source(%dma_start3A_31 : memref<632x128xf32, #tpu.memory_space<vmem_shared>>) target(%dma_start3A_29 : memref<632x128xf32, #tpu.memory_space<hbm>>) target_semaphore(%run_scoped3A : memref<!tpu.dma_semaphore, #tpu.memory_space<semaphore_mem>>)
      %dma_wait3A_32 = arith.constant 0 : i32
      %dma_wait3A_33 = tpu.memref_slice %arg4[%arg0, %mul3A_2, %dma_wait3A_32] : memref<2x10112x128xf32, #tpu.memory_space<hbm>> -> memref<1x632x128xf32, #tpu.memory_space<hbm>>
      %dma_wait3A_34 = tpu.memref_squeeze %dma_wait3A_33 : memref<1x632x128xf32, #tpu.memory_space<hbm>> -> memref<632x128xf32, #tpu.memory_space<hbm>>
      %dma_wait3A_35 = arith.constant 0 : i32
      %dma_wait3A_36 = tpu.memref_slice %arg11[%mul3A_2, %dma_wait3A_35] : memref<10112x128xf32, #tpu.memory_space<vmem_shared>> -> memref<632x128xf32, #tpu.memory_space<vmem_shared>>
      tpu.wait_dma2 semaphore(%run_scoped3A : memref<!tpu.dma_semaphore, #tpu.memory_space<semaphore_mem>>) src(%dma_wait3A_36 : memref<632x128xf32, #tpu.memory_space<vmem_shared>>) dst(%dma_wait3A_34 : memref<632x128xf32, #tpu.memory_space<hbm>>)
      tpu.yield
    }) : () -> ()
    return
  }
}

module attributes {stable_mosaic.version = 14 : i64} {
  func.func @_scale1_body(%arg0: i32, %arg1: memref<1264x32xf32, #tpu.memory_space<vmem>>, %arg2: memref<1264x128xf32, #tpu.memory_space<vmem>>, %arg3: memref<128x128xf32, #tpu.memory_space<vmem>>, %arg4: memref<1264x128xf32, #tpu.memory_space<vmem>>, %arg5: memref<1264x128xf32, #tpu.memory_space<vmem>>) attributes {dimension_semantics = [#tpu.dimension_semantics<arbitrary>], iteration_bounds = array<i64: 8>, scalar_prefetch = 0 : i64, scratch_operands = 0 : i64, tpu.core_type = #tpu.core_type<tc>, window_params = [{transform_indices = @transform_0, window_bounds = array<i64: 1264, 32>}, {transform_indices = @transform_1, window_bounds = array<i64: 1264, 128>}, {pipeline_mode = #tpu.pipeline_mode<synchronous>, transform_indices = @transform_2, window_bounds = array<i64: 128, 128>}, {transform_indices = @transform_3, window_bounds = array<i64: 1264, 128>}, {transform_indices = @transform_4, window_bounds = array<i64: 1264, 128>}]} {
    %get3A = arith.constant 0 : index
    %get3A_0 = arith.constant 0 : index
    %get3A_1 = vector.load %arg1[%get3A, %get3A_0] : memref<1264x32xf32, #tpu.memory_space<vmem>>, vector<1264x32xf32>
    %reduce_sum3A = arith.constant dense<0.000000e+00> : vector<1264xf32>
    %reduce_sum3A_2 = vector.multi_reduction <add>, %get3A_1, %reduce_sum3A [1] : vector<1264x32xf32> to vector<1264xf32>
    %broadcast_in_dim3A = vector.shape_cast %reduce_sum3A_2 : vector<1264xf32> to vector<1264x1xf32>
    %add3A = arith.constant 1.000000e+00 : f32
    %add3A_3 = vector.broadcast %add3A : f32 to vector<1264x1xf32>
    %add3A_4 = arith.addf %broadcast_in_dim3A, %add3A_3 : vector<1264x1xf32>
    %rsqrt3A = math.rsqrt %add3A_4 : vector<1264x1xf32>
    %get3A_5 = arith.constant 0 : index
    %get3A_6 = arith.constant 0 : index
    %get3A_7 = vector.load %arg2[%get3A_5, %get3A_6] : memref<1264x128xf32, #tpu.memory_space<vmem>>, vector<1264x128xf32>
    %get3A_8 = arith.constant 0 : index
    %get3A_9 = arith.constant 0 : index
    %get3A_10 = vector.load %arg3[%get3A_8, %get3A_9] : memref<128x128xf32, #tpu.memory_space<vmem>>, vector<128x128xf32>
    %dot_general3A = arith.constant dense<0.000000e+00> : vector<1264x128xf32>
    %dot_general3A_11 = tpu.matmul %get3A_7, %get3A_10, %dot_general3A {dimension_numbers = #tpu.dot_dimension_numbers<[1], [0], [0], [1], [0, 0, 1, 1], [], []>, transpose_lhs_hint = false} : vector<1264x128xf32>, vector<128x128xf32>, vector<1264x128xf32> -> vector<1264x128xf32>
    %mul3A = vector.broadcast %rsqrt3A : vector<1264x1xf32> to vector<1264x128xf32>
    %mul3A_12 = arith.mulf %mul3A, %dot_general3A_11 : vector<1264x128xf32>
    %swap3A = arith.constant 0 : index
    %swap3A_13 = arith.constant 0 : index
    %swap3A_14 = vector.load %arg4[%swap3A, %swap3A_13] : memref<1264x128xf32, #tpu.memory_space<vmem>>, vector<1264x128xf32>
    tpu.vector_store %arg4[%swap3A, %swap3A_13], %mul3A_12 {strides = array<i32>} : memref<1264x128xf32, #tpu.memory_space<vmem>>, vector<1264x128xf32>,
    %broadcast_in_dim3A_15 = vector.shape_cast %rsqrt3A : vector<1264x1xf32> to vector<1264x1xf32>
    %broadcast_in_dim3A_16 = vector.broadcast %broadcast_in_dim3A_15 : vector<1264x1xf32> to vector<1264x128xf32>
    %swap3A_17 = arith.constant 0 : index
    %swap3A_18 = arith.constant 0 : index
    %swap3A_19 = vector.load %arg5[%swap3A_17, %swap3A_18] : memref<1264x128xf32, #tpu.memory_space<vmem>>, vector<1264x128xf32>
    tpu.vector_store %arg5[%swap3A_17, %swap3A_18], %broadcast_in_dim3A_16 {strides = array<i32>} : memref<1264x128xf32, #tpu.memory_space<vmem>>, vector<1264x128xf32>,
    return
  }
  func.func @transform_0(%arg0: i32) -> (i32, i32) {
    %c0_i32 = arith.constant 0 : i32
    %c0_i32_0 = arith.constant 0 : i32
    return %arg0, %c0_i32 : i32, i32
  }
  func.func @transform_1(%arg0: i32) -> (i32, i32) {
    %c0_i32 = arith.constant 0 : i32
    %c0_i32_0 = arith.constant 0 : i32
    return %arg0, %c0_i32 : i32, i32
  }
  func.func @transform_2(%arg0: i32) -> (i32, i32) {
    %c0_i32 = arith.constant 0 : i32
    %c0_i32_0 = arith.constant 0 : i32
    %c0_i32_1 = arith.constant 0 : i32
    return %c0_i32, %c0_i32_0 : i32, i32
  }
  func.func @transform_3(%arg0: i32) -> (i32, i32) {
    %c0_i32 = arith.constant 0 : i32
    %c0_i32_0 = arith.constant 0 : i32
    return %arg0, %c0_i32 : i32, i32
  }
  func.func @transform_4(%arg0: i32) -> (i32, i32) {
    %c0_i32 = arith.constant 0 : i32
    %c0_i32_0 = arith.constant 0 : i32
    return %arg0, %c0_i32 : i32, i32
  }
}

module attributes {stable_mosaic.version = 14 : i64} {
  func.func @_mid_body(%arg0: i32, %arg1: memref<2x1264x128xf32, #tpu.memory_space<vmem>>, %arg2: memref<1264x128xf32, #tpu.memory_space<vmem>>, %arg3: memref<1264x128xf32, #tpu.memory_space<vmem>>, %arg4: memref<128x128xf32, #tpu.memory_space<vmem>>, %arg5: memref<1x128xf32, #tpu.memory_space<vmem>>, %arg6: memref<1264x128xf32, #tpu.memory_space<vmem>>) attributes {dimension_semantics = [#tpu.dimension_semantics<arbitrary>], iteration_bounds = array<i64: 8>, scalar_prefetch = 0 : i64, scratch_operands = 0 : i64, tpu.core_type = #tpu.core_type<tc>, window_params = [{transform_indices = @transform_0, window_bounds = array<i64: 2, 1264, 128>}, {transform_indices = @transform_1, window_bounds = array<i64: 1264, 128>}, {transform_indices = @transform_2, window_bounds = array<i64: 1264, 128>}, {pipeline_mode = #tpu.pipeline_mode<synchronous>, transform_indices = @transform_3, window_bounds = array<i64: 128, 128>}, {pipeline_mode = #tpu.pipeline_mode<synchronous>, transform_indices = @transform_4, window_bounds = array<i64: 1, 128>}, {transform_indices = @transform_5, window_bounds = array<i64: 1264, 128>}]} {
    %get3A = arith.constant 0 : index
    %get3A_0 = arith.constant 0 : index
    %get3A_1 = vector.load %arg3[%get3A, %get3A_0] : memref<1264x128xf32, #tpu.memory_space<vmem>>, vector<1264x128xf32>
    %get3A_2 = arith.constant 0 : index
    %get3A_3 = arith.constant 0 : index
    %get3A_4 = arith.constant 0 : index
    %get3A_5 = vector.load %arg1[%get3A_2, %get3A_3, %get3A_4] : memref<2x1264x128xf32, #tpu.memory_space<vmem>>, vector<1x1264x128xf32>
    %get3A_6 = vector.shape_cast %get3A_5 : vector<1x1264x128xf32> to vector<1264x128xf32>
    %get3A_7 = arith.constant 1 : index
    %get3A_8 = arith.constant 0 : index
    %get3A_9 = arith.constant 0 : index
    %get3A_10 = vector.load %arg1[%get3A_7, %get3A_8, %get3A_9] : memref<2x1264x128xf32, #tpu.memory_space<vmem>>, vector<1x1264x128xf32>
    %get3A_11 = vector.shape_cast %get3A_10 : vector<1x1264x128xf32> to vector<1264x128xf32>
    %add3A = arith.addf %get3A_6, %get3A_11 : vector<1264x128xf32>
    %get3A_12 = arith.constant 0 : index
    %get3A_13 = arith.constant 0 : index
    %get3A_14 = vector.load %arg2[%get3A_12, %get3A_13] : memref<1264x128xf32, #tpu.memory_space<vmem>>, vector<1264x128xf32>
    %sub3A = arith.subf %add3A, %get3A_14 : vector<1264x128xf32>
    %mul3A = arith.mulf %get3A_1, %sub3A : vector<1264x128xf32>
    %get3A_15 = arith.constant 0 : index
    %get3A_16 = arith.constant 0 : index
    %get3A_17 = vector.load %arg5[%get3A_15, %get3A_16] : memref<1x128xf32, #tpu.memory_space<vmem>>, vector<1x128xf32>
    %add3A_18 = vector.broadcast %get3A_17 : vector<1x128xf32> to vector<1264x128xf32>
    %add3A_19 = arith.addf %mul3A, %add3A_18 : vector<1264x128xf32>
    %max3A = arith.constant 0.000000e+00 : f32
    %max3A_20 = vector.broadcast %max3A : f32 to vector<1264x128xf32>
    %max3A_21 = arith.maximumf %add3A_19, %max3A_20 : vector<1264x128xf32>
    %get3A_22 = arith.constant 0 : index
    %get3A_23 = arith.constant 0 : index
    %get3A_24 = vector.load %arg4[%get3A_22, %get3A_23] : memref<128x128xf32, #tpu.memory_space<vmem>>, vector<128x128xf32>
    %dot_general3A = arith.constant dense<0.000000e+00> : vector<1264x128xf32>
    %dot_general3A_25 = tpu.matmul %max3A_21, %get3A_24, %dot_general3A {dimension_numbers = #tpu.dot_dimension_numbers<[1], [0], [0], [1], [0, 0, 1, 1], [], []>, transpose_lhs_hint = false} : vector<1264x128xf32>, vector<128x128xf32>, vector<1264x128xf32> -> vector<1264x128xf32>
    %mul3A_26 = arith.mulf %get3A_1, %dot_general3A_25 : vector<1264x128xf32>
    %swap3A = arith.constant 0 : index
    %swap3A_27 = arith.constant 0 : index
    %swap3A_28 = vector.load %arg6[%swap3A, %swap3A_27] : memref<1264x128xf32, #tpu.memory_space<vmem>>, vector<1264x128xf32>
    tpu.vector_store %arg6[%swap3A, %swap3A_27], %mul3A_26 {strides = array<i32>} : memref<1264x128xf32, #tpu.memory_space<vmem>>, vector<1264x128xf32>,
    return
  }
  func.func @transform_0(%arg0: i32) -> (i32, i32, i32) {
    %c0_i32 = arith.constant 0 : i32
    %c0_i32_0 = arith.constant 0 : i32
    %c0_i32_1 = arith.constant 0 : i32
    return %c0_i32, %arg0, %c0_i32_0 : i32, i32, i32
  }
  func.func @transform_1(%arg0: i32) -> (i32, i32) {
    %c0_i32 = arith.constant 0 : i32
    %c0_i32_0 = arith.constant 0 : i32
    return %arg0, %c0_i32 : i32, i32
  }
  func.func @transform_2(%arg0: i32) -> (i32, i32) {
    %c0_i32 = arith.constant 0 : i32
    %c0_i32_0 = arith.constant 0 : i32
    return %arg0, %c0_i32 : i32, i32
  }
  func.func @transform_3(%arg0: i32) -> (i32, i32) {
    %c0_i32 = arith.constant 0 : i32
    %c0_i32_0 = arith.constant 0 : i32
    %c0_i32_1 = arith.constant 0 : i32
    return %c0_i32, %c0_i32_0 : i32, i32
  }
  func.func @transform_4(%arg0: i32) -> (i32, i32) {
    %c0_i32 = arith.constant 0 : i32
    %c0_i32_0 = arith.constant 0 : i32
    %c0_i32_1 = arith.constant 0 : i32
    return %c0_i32, %c0_i32_0 : i32, i32
  }
  func.func @transform_5(%arg0: i32) -> (i32, i32) {
    %c0_i32 = arith.constant 0 : i32
    %c0_i32_0 = arith.constant 0 : i32
    return %arg0, %c0_i32 : i32, i32
  }
}

module attributes {stable_mosaic.version = 14 : i64} {
  func.func @_final_body(%arg0: i32, %arg1: memref<2x2000x128xf32, #tpu.memory_space<vmem>>, %arg2: memref<2000x128xf32, #tpu.memory_space<vmem>>, %arg3: memref<2000x128xf32, #tpu.memory_space<vmem>>, %arg4: memref<1x128xf32, #tpu.memory_space<vmem>>, %arg5: memref<2000x128xf32, #tpu.memory_space<vmem>>) attributes {dimension_semantics = [#tpu.dimension_semantics<arbitrary>], iteration_bounds = array<i64: 5>, scalar_prefetch = 0 : i64, scratch_operands = 0 : i64, tpu.core_type = #tpu.core_type<tc>, window_params = [{transform_indices = @transform_0, window_bounds = array<i64: 2, 2000, 128>}, {transform_indices = @transform_1, window_bounds = array<i64: 2000, 128>}, {transform_indices = @transform_2, window_bounds = array<i64: 2000, 128>}, {pipeline_mode = #tpu.pipeline_mode<synchronous>, transform_indices = @transform_3, window_bounds = array<i64: 1, 128>}, {transform_indices = @transform_4, window_bounds = array<i64: 2000, 128>}]} {
    %get3A = arith.constant 0 : index
    %get3A_0 = arith.constant 0 : index
    %get3A_1 = arith.constant 0 : index
    %get3A_2 = vector.load %arg1[%get3A, %get3A_0, %get3A_1] : memref<2x2000x128xf32, #tpu.memory_space<vmem>>, vector<1x2000x128xf32>
    %get3A_3 = vector.shape_cast %get3A_2 : vector<1x2000x128xf32> to vector<2000x128xf32>
    %get3A_4 = arith.constant 1 : index
    %get3A_5 = arith.constant 0 : index
    %get3A_6 = arith.constant 0 : index
    %get3A_7 = vector.load %arg1[%get3A_4, %get3A_5, %get3A_6] : memref<2x2000x128xf32, #tpu.memory_space<vmem>>, vector<1x2000x128xf32>
    %get3A_8 = vector.shape_cast %get3A_7 : vector<1x2000x128xf32> to vector<2000x128xf32>
    %add3A = arith.addf %get3A_3, %get3A_8 : vector<2000x128xf32>
    %get3A_9 = arith.constant 0 : index
    %get3A_10 = arith.constant 0 : index
    %get3A_11 = vector.load %arg2[%get3A_9, %get3A_10] : memref<2000x128xf32, #tpu.memory_space<vmem>>, vector<2000x128xf32>
    %sub3A = arith.subf %add3A, %get3A_11 : vector<2000x128xf32>
    %get3A_12 = arith.constant 0 : index
    %get3A_13 = arith.constant 0 : index
    %get3A_14 = vector.load %arg3[%get3A_12, %get3A_13] : memref<2000x128xf32, #tpu.memory_space<vmem>>, vector<2000x128xf32>
    %mul3A = arith.mulf %get3A_14, %sub3A : vector<2000x128xf32>
    %get3A_15 = arith.constant 0 : index
    %get3A_16 = arith.constant 0 : index
    %get3A_17 = vector.load %arg4[%get3A_15, %get3A_16] : memref<1x128xf32, #tpu.memory_space<vmem>>, vector<1x128xf32>
    %add3A_18 = vector.broadcast %get3A_17 : vector<1x128xf32> to vector<2000x128xf32>
    %add3A_19 = arith.addf %mul3A, %add3A_18 : vector<2000x128xf32>
    %reduce_max3A = arith.constant dense<0xFF800000> : vector<2000xf32>
    %reduce_max3A_20 = vector.multi_reduction <maximumf>, %add3A_19, %reduce_max3A [1] : vector<2000x128xf32> to vector<2000xf32>
    %broadcast_in_dim3A = vector.shape_cast %reduce_max3A_20 : vector<2000xf32> to vector<2000x1xf32>
    %sub3A_21 = vector.broadcast %broadcast_in_dim3A : vector<2000x1xf32> to vector<2000x128xf32>
    %sub3A_22 = arith.subf %add3A_19, %sub3A_21 : vector<2000x128xf32>
    %exp3A = math.exp %sub3A_22 : vector<2000x128xf32>
    %reduce_sum3A = arith.constant dense<0.000000e+00> : vector<2000xf32>
    %reduce_sum3A_23 = vector.multi_reduction <add>, %exp3A, %reduce_sum3A [1] : vector<2000x128xf32> to vector<2000xf32>
    %broadcast_in_dim3A_24 = vector.shape_cast %reduce_sum3A_23 : vector<2000xf32> to vector<2000x1xf32>
    %log3A = math.log %broadcast_in_dim3A_24 : vector<2000x1xf32>
    %sub3A_25 = vector.broadcast %broadcast_in_dim3A : vector<2000x1xf32> to vector<2000x128xf32>
    %sub3A_26 = arith.subf %add3A_19, %sub3A_25 : vector<2000x128xf32>
    %sub3A_27 = vector.broadcast %log3A : vector<2000x1xf32> to vector<2000x128xf32>
    %sub3A_28 = arith.subf %sub3A_26, %sub3A_27 : vector<2000x128xf32>
    %swap3A = arith.constant 0 : index
    %swap3A_29 = arith.constant 0 : index
    %swap3A_30 = vector.load %arg5[%swap3A, %swap3A_29] : memref<2000x128xf32, #tpu.memory_space<vmem>>, vector<2000x128xf32>
    tpu.vector_store %arg5[%swap3A, %swap3A_29], %sub3A_28 {strides = array<i32>} : memref<2000x128xf32, #tpu.memory_space<vmem>>, vector<2000x128xf32>,
    return
  }
  func.func @transform_0(%arg0: i32) -> (i32, i32, i32) {
    %c0_i32 = arith.constant 0 : i32
    %c0_i32_0 = arith.constant 0 : i32
    %c0_i32_1 = arith.constant 0 : i32
    return %c0_i32, %arg0, %c0_i32_0 : i32, i32, i32
  }
  func.func @transform_1(%arg0: i32) -> (i32, i32) {
    %c0_i32 = arith.constant 0 : i32
    %c0_i32_0 = arith.constant 0 : i32
    return %arg0, %c0_i32 : i32, i32
  }
  func.func @transform_2(%arg0: i32) -> (i32, i32) {
    %c0_i32 = arith.constant 0 : i32
    %c0_i32_0 = arith.constant 0 : i32
    return %arg0, %c0_i32 : i32, i32
  }
  func.func @transform_3(%arg0: i32) -> (i32, i32) {
    %c0_i32 = arith.constant 0 : i32
    %c0_i32_0 = arith.constant 0 : i32
    %c0_i32_1 = arith.constant 0 : i32
    return %c0_i32, %c0_i32_0 : i32, i32
  }
  func.func @transform_4(%arg0: i32) -> (i32, i32) {
    %c0_i32 = arith.constant 0 : i32
    %c0_i32_0 = arith.constant 0 : i32
    return %arg0, %c0_i32 : i32, i32
  }
}

</mosaic_0001>

<sc_bundles>
// kernel: kernel.11.cloned.1.call-start
scs
__scs_entry_jumppad:
0x0: {  	(pc) =	sbr.rel $0x88, $3  }
0x1: {  	(tag) =	ssettag $0x0;
	lr =	simm.s32 $0x1  }
0x2: {  	[smem:$0x3F9B] =	sst lr;
	_ =	strace $0xD0000000  }
0x3: {  	_ = 	snop  }
0x4: {  	_ = 	snop  }
0x5: {  	_ = 	snop  }
0x6: {  	_ = 	snop  }
0x7: {  	_ = 	snop  }
__scs_overlays_trampoline_lowered:
0x8: {  	[smem:$0x3FAA] =	sst s0  }
0x9: {  	[smem:$0x3FAB] =	sst s1  }
0xa: {  	[smem:$0x3FAC] =	sst s2  }
0xb: {  	[smem:$0x3FAD] =	sst s3  }
0xc: {  	[smem:$0x3FAE] =	sst s4  }
0xd: {  	[smem:$0x3FAF] =	sst s5  }
0xe: {  	[smem:$0x3FB0] =	sst s6  }
0xf: {  	[smem:$0x3FB1] =	sst s7  }
0x10: {  	[smem:$0x3FB2] =	sst s8  }
0x11: {  	[smem:$0x3FB3] =	sst s9;
	s0 =	simm.s32 @!p0 $0x0  }
0x12: {  	s1 =	sld [smem:$0x3F99];
	s0 =	simm.s32 @p0 $0x1  }
0x13: {  	[smem:$0x3FB4] =	sst s0;
	s0 =	simm.s32 @!p1 $0x0  }
0x14: {  	s2 =	sld [smem:$0x3F98];
	s0 =	simm.s32 @p1 $0x1  }
0x15: {  	[smem:$0x3FB5] =	sst s0;
	s0 =	simm.s32 @!p2 $0x0  }
0x16: {  	s3 =	sld [smem:$0x3FDB];
	s0 =	simm.s32 @p2 $0x1  }
0x17: {  	s4 =	simm.s32 $0x1BF5;
	[smem:$0x3FB7] =	sst s0  }
0x18: {  	s0 =	sld [smem:$0x3F9A];
	_ =	swait.ge [sflag:s4], $0x0  }
0x19: {  	s7 =	sld [smem:$0x3F9B]  }
0x1a: {  	s8 =	sadd.s32 $0xFFFFE003, lr  }
0x1b: {  	s9 =	sadd.s32 $0xFFFFFEF7, lr;
	s5 =	simm.s32 $0xFFFFFFFF;
	p2 =	slt.u32 s8, $0xFFFFF086  }
0x1c: {  	p1 =	slt.u32 s9, $0xF7A;
	s5 =	simm.s32 @!p2 $0x0  }
0x1d: {  	s5 =	simm.s32 @p1 $0x1;
	p0 =	seq.s32 s7, s2  }
0x1e: {  	s7 =	smul.u32 @!p0 $0xF7A, s2;
	p2 =	seq.s32 @!p0 s5, $0x0  }
0x1f: {  	s9 =	smul.u32 $0xF7A, s1;
	s8 =	simm.s32 @!p0 $0x1BF5;
	p2 =	por !p2, p0  }
0x20: {  	[sflag:s8] =	ssyncset.s32 @!p0 $0xFFFFF086;
	s6 =	sadd.s32 @!p0 s3, s7;
	s7 =	simm.s32 @!p0 $0x108  }
0x21: {  	s3 =	sadd.s32 s3, s9;
	s6 =	sadd.s32 @!p0 $0x88, s6;
	s7 =	simm.s32 @p2 $0x1082  }
0x22: {  	[simem:s7], [sflag:s8] =	dma.local @!p0 [hbm:s6], $0xF7A  }
0x23: {  	s9 =	sor.u32 $0xD0000000, s2;
	s6 =	simm.s32 $0x108;
	_ =	swait.ge @!p0 [sflag:s8], $0x0  }
0x24: {  	s3 =	sadd.s32 $0x88, s3;
	s6 =	simm.s32 @!p1 $0x1082;
	[sflag:s4] =	ssyncset.s32 $0xFFFFF086  }
0x25: {  	[simem:s6], [sflag:s4] =	dma.local [hbm:s3], $0xF7A  }
0x26: {  	[smem:$0x3F9B] =	sst s1;
	(tag) =	ssettag s2;
	_ =	strace s9  }
0x27: {  	s1 =	sld [smem:$0x3FAB]  }
0x28: {  	s2 =	sld [smem:$0x3FAC]  }
0x29: {  	s4 =	sld [smem:$0x3FAE]  }
0x2a: {  	p0 =	seq.s32 s5, $0x0;
	s5 =	sld [smem:$0x3FAF]  }
0x2b: {  	s6 =	sld [smem:$0x3FB0]  }
0x2c: {  	s7 =	sld [smem:$0x3FB1]  }
0x2d: {  	s3 =	simm.s32 $0x108;
	s8 =	sld [smem:$0x3FB2]  }
0x2e: {  	s3 =	simm.s32 @!p0 $0x1082;
	s9 =	sld [smem:$0x3FB3]  }
0x2f: {  	lr =	sadd.s32 s0, s3;
	s0 =	sld [smem:$0x3FAA]  }
0x30: {  	s3 =	sld [smem:$0x3FAD]  }
0x31: {  	[smem:$0x3FB6] =	sst s10  }
0x32: {  	s10 =	sld [smem:$0x3FB4];
	_ =	sdelay $0x3  }
0x33: {  	p0 =	seq.s32 s10, $0x1;
	s10 =	sld [smem:$0x3FB6];
	_ =	sdelay $0x3  }
0x34: {  	[smem:$0x3FB6] =	sst s10  }
0x35: {  	s10 =	sld [smem:$0x3FB5];
	_ =	sdelay $0x3  }
0x36: {  	p1 =	seq.s32 s10, $0x1;
	s10 =	sld [smem:$0x3FB6];
	_ =	sdelay $0x3  }
0x37: {  	[smem:$0x3FB6] =	sst s10  }
0x38: {  	s10 =	sld [smem:$0x3FB7]  }
0x39: {  	_ = 	snop;
	(pc) =	sbr.ind lr, $3  }
0x3a: {  	_ = 	snop  }
0x3b: {  	_ = 	snop  }
0x3c: {  	p2 =	seq.s32 s10, $0x1;
	s10 =	sld [smem:$0x3FB6]  }
0x3d: {  	_ =	shalt  }
0x3e: {  	_ =	shalt  }
0x3f: {  	_ =	shalt  }
0x40: {  	_ =	shalt  }
0x41: {  	_ =	shalt  }
0x42: {  	_ =	shalt  }
0x43: {  	_ =	shalt  }
0x44: {  	_ =	shalt  }
0x45: {  	_ =	shalt  }
0x46: {  	_ =	shalt  }
0x47: {  	_ =	shalt  }
0x48: {  	_ =	shalt  }
0x49: {  	_ =	shalt  }
0x4a: {  	_ =	shalt  }
0x4b: {  	_ =	shalt  }
0x4c: {  	_ =	shalt  }
0x4d: {  	_ =	shalt  }
0x4e: {  	_ =	shalt  }
0x4f: {  	_ =	shalt  }
0x50: {  	_ =	shalt  }
0x51: {  	_ =	shalt  }
0x52: {  	_ =	shalt  }
0x53: {  	_ =	shalt  }
0x54: {  	_ =	shalt  }
0x55: {  	_ =	shalt  }
0x56: {  	_ =	shalt  }
0x57: {  	_ =	shalt  }
0x58: {  	_ =	shalt  }
0x59: {  	_ =	shalt  }
0x5a: {  	_ =	shalt  }
0x5b: {  	_ =	shalt  }
0x5c: {  	_ =	shalt  }
0x5d: {  	_ =	shalt  }
0x5e: {  	_ =	shalt  }
0x5f: {  	_ =	shalt  }
0x60: {  	_ =	shalt  }
0x61: {  	_ =	shalt  }
0x62: {  	_ =	shalt  }
0x63: {  	_ =	shalt  }
0x64: {  	_ =	shalt  }
0x65: {  	_ =	shalt  }
0x66: {  	_ =	shalt  }
0x67: {  	_ =	shalt  }
0x68: {  	_ =	shalt  }
0x69: {  	_ =	shalt  }
0x6a: {  	_ =	shalt  }
0x6b: {  	_ =	shalt  }
0x6c: {  	_ =	shalt  }
0x6d: {  	_ =	shalt  }
0x6e: {  	_ =	shalt  }
0x6f: {  	_ =	shalt  }
0x70: {  	_ =	shalt  }
0x71: {  	_ =	shalt  }
0x72: {  	_ =	shalt  }
0x73: {  	_ =	shalt  }
0x74: {  	_ =	shalt  }
0x75: {  	_ =	shalt  }
0x76: {  	_ =	shalt  }
0x77: {  	_ =	shalt  }
0x78: {  	_ =	shalt  }
0x79: {  	_ =	shalt  }
0x7a: {  	_ =	shalt  }
0x7b: {  	_ =	shalt  }
0x7c: {  	_ =	shalt  }
0x7d: {  	_ =	shalt  }
0x7e: {  	_ =	shalt  }
0x7f: {  	_ =	shalt  }
0x80: {  	_ =	shalt  }
0x81: {  	_ =	shalt  }
0x82: {  	_ =	shalt  }
0x83: {  	_ =	shalt  }
0x84: {  	_ =	shalt  }
0x85: {  	_ =	shalt  }
0x86: {  	_ =	shalt  }
0x87: {  	_ =	shalt  }
.Lfunc_end0:
.L_simem_size_0:
called_computation.1_lowered:
.L_overlay_start_0:
0x88: {  	s2 =	sld [smem:$0x3FD9]  }
0x89: {  	s3 =	sld [smem:$0x3FFE];
	_ =	sdelay $0x1  }
0x8a: {  	s1 =	srdreg.scid  }
0x8b: {  	s0 =	sand.u32 $0x1, s1  }
0x8c: {  	s17 =	sshll.u32 s0, $0xA;
	s2 =	sadd.s32 s3, s2  }
0x8d: {  	s2 =	sadd.s32 s2, s17  }
0x8e: {  	[smem:$0x3FC2] =	sst s2  }
0x8f: {  	_ = 	snop  }
0x90: {  	s2 =	sld [smem:$0x3FD0];
	(tm) =	ssettm $0x1  }
0x91: {  	s18 =	sld [smem:$0x3FFB];
	_ =	sdelay $0x3  }
0x92: {  	_ =	strace s18  }
0x93: {  	s3 =	sld [smem:$0x3FFC];
	_ =	sdelay $0x3  }
0x94: {  	_ =	strace s3  }
0x95: {  	s3 =	sld [smem:$0x3FFD];
	_ =	sdelay $0x3  }
0x96: {  	_ =	strace s3  }
0x97: {  	_ =	strace $0x8FFFFFFF  }
0x98: {  	s19 =	sld [smem:$0x3FDB];
	_ =	sdelay $0x1  }
0x99: {  	s4 =	simm.s32 $_scs_section_size  }
0x9a: {  	s5 =	simm.s32 $_size__tile_overlayer_lowered;
	s6 =	simm.s32 $_tile_overlayer_lowered  }
0x9b: {  	s22 =	simm.s32 $0x1BFF;
	s21 =	sshll.u32 s6, $0x1;
	s3 =	sadd.s32 s4, s19  }
0x9c: {  	s7 =	simm.s32 $0x0;
	s20 =	sshll.u32 s5, $0x1;
	s5 =	sadd.s32 s21, s3  }
0x9d: {  	[timem:s7], [sflag:s22] =	dma.local [hbm:s5], s20  }
0x9e: {  	_ =	swait.ge [sflag:s22], s20  }
0x9f: {  	s4 =	ssub.s32 $0x0, s20;
	[sflag:s22] =	ssyncset.done $0x0  }
0xa0: {  	[sflag:s22] =	ssyncadd.s32 s4;
	_ =	sdelay $0x1  }
0xa1: {  	s23 =	simm.s32 $0x1B8B  }
0xa2: {  	_ =	swait.ge [sflag:s23], $0x1  }
0xa3: {  	[sflag:s23] =	ssyncset.done $0x0  }
0xa4: {  	s25 =	simm.s32 $0x1B8E;
	s24 =	sld [smem:$0x3FFE];
	[sflag:s23] =	ssyncadd.s32 $0xFFFFFFFF  }
0xa5: {  	s26 =	simm.s32 $execute0_lowered;
	[smem:$0x3FD2] =	sst s25  }
0xa6: {  	s5 =	sshll.u32 s26, $0x1;
	_ =	strace $0x80000049;
	[dreg:$0x1] =	wrdreg $0xFFFFFFFF  }
0xa7: {  	s28 =	simm.s32 $_size_execute0_lowered;
	s3 =	sadd.s32 s3, s5;
	[dreg:$0x0] =	wrdreg $0x0  }
0xa8: {  	s5 =	sshll.u32 s28, $0x1;
	[dreg:$0x2] =	wrdreg s3  }
0xa9: {  	[dreg:$0x3] =	wrdreg s5  }
0xaa: {  	[dreg:$0x4] =	wrdreg $0xC0  }
0xab: {  	_ =	task [dreg:s7], $0x5FFFF  }
0xac: {  	[dreg:$0x1] =	wrdreg $0xFFFFFFFF  }
0xad: {  	[dreg:$0x0] =	wrdreg $0x60  }
0xae: {  	[dreg:$0x2] =	wrdreg s24  }
0xaf: {  	[dreg:$0x3] =	wrdreg s2  }
0xb0: {  	[dreg:$0x4] =	wrdreg $0x9F000  }
0xb1: {  	[dreg:$0x5] =	wrdreg $0x9  }
0xb2: {  	_ =	task.clear_ibuf [dreg:s7], $0x6FFFF;
	_ =	strace $0x90000049  }
0xb3: {  	s29 =	simm.s32 $0x9;
	_ =	strace $0x8000004B  }
0xb4: {  	_ =	swait.ge [sflag:s29], $0x1  }
0xb5: {  	[sflag:s29] =	ssyncadd.s32 $0xFFFFFFFF  }
0xb6: {  	_ =	strace $0x9000004B  }
0xb7: {  	_ =	sfence  }
0xb8: {  	s30 =	sld [smem:$0x0];
	_ =	sdelay $0x2  }
0xb9: {  	s31 =	sshll.u32 s1, $0xD;
	s1 =	sshrl.u32 s1, $0x2  }
0xba: {  	s3 =	sand.u32 $0x4000, s31;
	s1 =	sadd.s32 s1, s30  }
0xbb: {  	s0 =	sor.u32 s3, s0;
	s1 =	sshll.u32 s1, $0x11  }
0xbc: {  	s0 =	sor.u32 s1, s0  }
0xbd: {  	s0 =	sadd.s32 $0x8F2B, s0  }
0xbe: {  	[sflag:s0] =	ssyncadd.remote.s32 $0x1  }
0xbf: {  	_ =	sfence.sel $0xFFFF  }
0xc0: {  	[dreg:$0x0] =	wrdreg $0xFFFFFFFF;
	(pc) =	sbr.abs _section_cstart, $3  }
0xc1: {  	[dreg:$0x1] =	wrdreg $0xFFFFFFFF  }
0xc2: {  	_ =	task.clear_ibuf [dreg:s7], $0x2FFFF;
	_ =	strace $0x9FFFFFFF  }
0xc3: {  	(tm) =	ssettm $0x7FFFFFFF  }
tec
execute0_lowered:
.L_overlay_start_1:
0x0: {  	(tag) =	ssettag $0x1  }
0x1: {  	s5 =	rddreg [dreg:$0x0]  }
0x2: {  	s6 =	rddreg [dreg:$0x1]  }
0x3: {  	s2 =	rddreg [dreg:$0x2]  }
0x4: {  	s0 =	rddreg [dreg:$0x3];
	s4 =	srdreg.scid  }
0x5: {  	s1 =	stileid.u32;
	s3 =	simm.s32 $0x0;
	s13 =	simm.s32 $0x2780  }
0x6: {  	s14 =	simm.s32 $0x50;
	s15 =	simm.s32 $0x4F00;
	s16 =	simm.s32 $0x7700  }
0x7: {  	s17 =	simm.s32 $0x1;
	s18 =	simm.s32 $0x2;
	s19 =	simm.s32 $0x4DA0  }
0x8: {  	s20 =	simm.s32 $0x26C0;
	s21 =	simm.s32 $0x4DF0;
	s22 =	simm.s32 $0x4E40  }
0x9: {  	s23 =	simm.s32 $0x0;
	s7 =	sand.u32 $0x1, s4;
	s8 =	smul.u32 $0x13C00, s1  }
0xa: {  	[smem:$0x7FF] =	sst s3;
	s4 =	sadd.s32 $0x2800, s5;
	s11 =	smul.u32 $0x4F000, s1  }
0xb: {  	s31 =	sshll.u32 s1, $0x6;
	s9 =	smul.u32 $0x13C000, s7;
	s10 =	sshll.u32 s7, $0x4  }
0xc: {  	_ =	strace $0x8000004A;
	s7 =	ssub.s32 $0x2, s7;
	s10 =	sor.u32 s1, s10  }
0xd: {  	s28 =	sshrl.u32 s7, $0x1;
	s11 =	sshrl.u32 s11, $0x2;
	s30 =	sshrl.u32 s8, $0x3  }
0xe: {  	s9 =	sadd.s32 s8, s9;
	s10 =	smul.u32 $0x2710, s10;
	s12 =	ssub.s32 s7, s28  }
0xf: {  	s11 =	sadd.s32 s11, s2;
	s7 =	sor.u32 $0x1C03, s31;
	s9 =	sshrl.u32 s9, $0x3  }
0x10: {  	s11 =	sshrl.u32 s11, $0x3;
	s9 =	sadd.s32 s9, s5;
	s29 =	sshrl.u32 s10, $0x3  }
0x11: {  	s10 =	smax.u32 s12, $0x1;
	s12 =	simm.s32 $0x3;
	s5 =	sadd.s32 s6, s29  }
0x12: {  	s6 =	sadd.s32 s4, s30;
	s9 =	sadd.s32 $0x2A000, s9;
	s8 =	sadd.s32 $0x9C40, s5  }
.LBB2_1:
0x13: {  	[spmem:s11], [sflag:s7] =	dma.local [hbm:s6], $0x2780  }
0x14: {  	_ =	swait.ge [sflag:s12], $0x2780  }
0x15: {  	[sflag:s12] =	ssyncset.done $0x0  }
0x16: {  	[sflag:s12] =	ssyncadd.s32 $0xFFFFD880  }
0x17: {  	[tilespmem:s3], [sflag:$0x3] =	stream.linear.gather [hbm4b:s5+s3], $0x2710, $0x38;
	[tilespmem:$0x1DB00] =	vst v63  }
0x18: {  	_ =	swait.ge [sflag:s12], $0x2710  }
0x19: {  	[sflag:s12] =	ssyncset.done $0x0  }
0x1a: {  	[sflag:s12] =	ssyncadd.s32 $0xFFFFD8F0  }
0x1b: {  	[tilespmem:s13], [sflag:$0x3] =	stream.linear.gather [hbm4b:s8+s3], $0x2710, $0x38;
	[tilespmem:$0x1DB00] =	vst v63  }
0x1c: {  	_ =	swait.ge [sflag:s12], $0x2710  }
0x1d: {  	[sflag:s12] =	ssyncset.done $0x0  }
0x1e: {  	[sflag:s12] =	ssyncadd.s32 $0xFFFFD8F0  }
0x1f: {  	[bflag:$0x0] =	sbarrier.arrive $0xFFFF  }
0x20: {  	[tilespmem:s15], [sflag:$0x1] =	stream.indirect.gather [hbm4b:s4+s14], $0x80, s3, s14, $0xb8;
	[tilespmem:$0x1DB00] =	vst v63  }
0x21: {  	_ = 	snop  }
0x22: {  	[tilespmem:s16], [sflag:$0x2] =	stream.indirect.gather [hbm4b:s4+s14], $0x80, s14, s14, $0xb8;
	[tilespmem:$0x1DB00] =	vst v63  }
0x23: {  	_ =	swait.ge [sflag:s17], $0x2800  }
0x24: {  	[sflag:s17] =	ssyncset.done $0x0  }
0x25: {  	s24 =	simm.s32 $0x2780;
	[sflag:s17] =	ssyncadd.s32 $0xFFFFD800  }
0x26: {  	[spmem:s2] =	stream.indirect.scatter.add.f32 [tilespmem:s15], [sflag:$0x3], $0x80, s24, s14, $0xb8;
	[tilespmem:$0x1DB00] =	vst v63  }
0x27: {  	_ =	swait.ge [sflag:s12], $0x2800  }
0x28: {  	[sflag:s12] =	ssyncset.done $0x0  }
0x29: {  	s30 =	simm.s32 $0xA0;
	[sflag:s12] =	ssyncadd.s32 $0xFFFFD800  }
0x2a: {  	[tilespmem:s15], [sflag:$0x1] =	stream.indirect.gather [hbm4b:s4+s14], $0x80, s30, s14, $0xb8;
	[tilespmem:$0x1DB00] =	vst v63  }
0x2b: {  	_ =	swait.ge [sflag:s18], $0x2800  }
0x2c: {  	[sflag:s18] =	ssyncset.done $0x0  }
0x2d: {  	s31 =	simm.s32 $0x27D0;
	[sflag:s18] =	ssyncadd.s32 $0xFFFFD800  }
0x2e: {  	[spmem:s2] =	stream.indirect.scatter.add.f32 [tilespmem:s16], [sflag:$0x3], $0x80, s31, s14, $0xb8;
	[tilespmem:$0x1DB00] =	vst v63  }
0x2f: {  	_ =	swait.ge [sflag:s12], $0x2800  }
0x30: {  	[sflag:s12] =	ssyncset.done $0x0  }
0x31: {  	s25 =	simm.s32 $0xF0;
	s24 =	simm.s32 $0x280;
	[sflag:s12] =	ssyncadd.s32 $0xFFFFD800  }
.LBB2_2:
0x32: {  	[tilespmem:s16], [sflag:$0x2] =	stream.indirect.gather [hbm4b:s4+s14], $0x80, s25, s14, $0xb8;
	[tilespmem:$0x1DB00] =	vst v63  }
0x33: {  	s25 =	smov.u32 s24  }
0x34: {  	p0 =	sne.s32 s24, $0x9600;
	s24 =	sadd.s32 $0x280, s24;
	_ =	swait.ge [sflag:s17], $0x2800  }
0x35: {  	s25 =	sshra.s32 s25, $0x2;
	[sflag:s17] =	ssyncset.done $0x0  }
0x36: {  	s26 =	sadd.s32 $0x2780, s25;
	[sflag:s17] =	ssyncadd.s32 $0xFFFFD800  }
0x37: {  	[spmem:s2] =	stream.indirect.scatter.add.f32 [tilespmem:s15], [sflag:$0x3], $0x80, s26, s14, $0xb8;
	[tilespmem:$0x1DB00] =	vst v63  }
0x38: {  	_ =	swait.ge [sflag:s12], $0x2800  }
0x39: {  	[sflag:s12] =	ssyncset.done $0x0  }
0x3a: {  	s26 =	sadd.s32 $0xA0, s25;
	[sflag:s12] =	ssyncadd.s32 $0xFFFFD800  }
0x3b: {  	[tilespmem:s15], [sflag:$0x1] =	stream.indirect.gather [hbm4b:s4+s14], $0x80, s26, s14, $0xb8;
	[tilespmem:$0x1DB00] =	vst v63  }
0x3c: {  	_ =	swait.ge [sflag:s18], $0x2800  }
0x3d: {  	[sflag:s18] =	ssyncset.done $0x0  }
.Ltmp0:
0x3e: {  	s26 =	sadd.s32 $0x27D0, s25;
	[sflag:s18] =	ssyncadd.s32 $0xFFFFD800;
	(pc) =	sbr.rel @p0 .LBB2_2-.Ltmp0, $4  }
0x3f: {  	[spmem:s2] =	stream.indirect.scatter.add.f32 [tilespmem:s16], [sflag:$0x3], $0x80, s26, s14, $0xb8;
	[tilespmem:$0x1DB00] =	vst v63  }
0x40: {  	_ =	swait.ge [sflag:s12], $0x2800  }
0x41: {  	[sflag:s12] =	ssyncset.done $0x0  }
0x42: {  	s25 =	sadd.s32 $0xF0, s25;
	[sflag:s12] =	ssyncadd.s32 $0xFFFFD800  }
0x43: {  	[tilespmem:s16], [sflag:$0x2] =	stream.indirect.gather [hbm4b:s4+s14], $0x80, s25, s14, $0xb8;
	[tilespmem:$0x1DB00] =	vst v63  }
0x44: {  	_ =	swait.ge [sflag:s17], $0x2800  }
0x45: {  	[sflag:s17] =	ssyncset.done $0x0  }
0x46: {  	[sflag:s17] =	ssyncadd.s32 $0xFFFFD800  }
0x47: {  	[spmem:s2] =	stream.indirect.scatter.add.f32 [tilespmem:s15], [sflag:$0x3], $0x80, s19, s14, $0xb8;
	[tilespmem:$0x1DB00] =	vst v63  }
0x48: {  	_ =	swait.ge [sflag:s12], $0x2800  }
0x49: {  	[sflag:s12] =	ssyncset.done $0x0  }
0x4a: {  	[sflag:s12] =	ssyncadd.s32 $0xFFFFD800  }
0x4b: {  	[tilespmem:s15], [sflag:$0x1] =	stream.indirect.gather [hbm4b:s4+s14], $0x80, s20, s14, $0xb8;
	[tilespmem:$0x1DB00] =	vst v63  }
0x4c: {  	_ =	swait.ge [sflag:s18], $0x2800  }
0x4d: {  	[sflag:s18] =	ssyncset.done $0x0  }
0x4e: {  	[sflag:s18] =	ssyncadd.s32 $0xFFFFD800  }
0x4f: {  	[spmem:s2] =	stream.indirect.scatter.add.f32 [tilespmem:s16], [sflag:$0x3], $0x80, s21, s14, $0xb8;
	[tilespmem:$0x1DB00] =	vst v63  }
0x50: {  	_ =	swait.ge [sflag:s12], $0x2800  }
0x51: {  	[sflag:s12] =	ssyncset.done $0x0  }
0x52: {  	[sflag:s12] =	ssyncadd.s32 $0xFFFFD800  }
0x53: {  	_ =	swait.ge [sflag:s17], $0x2800  }
0x54: {  	[sflag:s17] =	ssyncset.done $0x0  }
0x55: {  	[sflag:s17] =	ssyncadd.s32 $0xFFFFD800  }
0x56: {  	[spmem:s2] =	stream.indirect.scatter.add.f32 [tilespmem:s15], [sflag:$0x3], $0x80, s22, s14, $0xb8;
	[tilespmem:$0x1DB00] =	vst v63  }
0x57: {  	_ =	swait.ge [sflag:s12], $0x2800  }
0x58: {  	s23 =	sadd.s32 $0x1, s23;
	[sflag:s12] =	ssyncset.done $0x0  }
0x59: {  	p0 =	sne.s32 s23, s10;
	[sflag:s12] =	ssyncadd.s32 $0xFFFFD800  }
.Ltmp1:
0x5a: {  	[bflag:$0x0] =	sbarrier.arrive $0xFFFF;
	(pc) =	sbr.rel @p0 .LBB2_1-.Ltmp1, $4  }
0x5b: {  	[hbm:s9], [sflag:s7] =	dma.local [spmem:s11], $0x2780  }
0x5c: {  	_ =	swait.ge [sflag:s12], $0x2780  }
0x5d: {  	[sflag:s12] =	ssyncset.done $0x0  }
0x5e: {  	[sflag:s12] =	ssyncadd.s32 $0xFFFFD880  }
0x5f: {  	_ =	sfence.sel $0x180000  }
0x60: {  	[bflag:$0x0] =	sbarrier.arrive $0xFFFF  }
0x61: {  	p0 =	sne.s32 s1, $0x0;
	_ =	strace $0x9000004A  }
0x62: {  	s0 =	sadd.s32 @!p0 $0x100000, s0;
	[bflag:$0x2] =	sbarrier.arrive $0xFFFF  }
0x63: {  	[sflag:s0] =	ssyncadd.tile.s32 @!p0 $0x1;
	_ =	shalt  }
.Lfunc_end2:
_tile_overlayer_lowered:
.L_overlay_start_2:
0x64: {  	(tag) =	ssettag $0x2  }
0x65: {  	s0 =	rddreg [dreg:$0x0];
	s2 =	stileid.u32  }
0x66: {  	s1 =	rddreg [dreg:$0x1];
	p0 =	sne.s32 s2, $0x0  }
0x67: {  	s3 =	rddreg [dreg:$0x2];
	[bflag:$0x3] =	sbarrier.arrive $0xFFFF;
	s2 =	simm.s32 @!p0 $0x1C03  }
0x68: {  	[timem:s3], [sflag:s2] =	dma.local @!p0 [hbm:s0], s1  }
0x69: {  	s0 =	simm.s32 @!p0 $0x3  }
0x6a: {  	_ =	swait.ge @!p0 [sflag:s0], s1  }
0x6b: {  	s1 =	ssub.s32 @!p0 $0x0, s1;
	[sflag:s0] =	ssyncset.done @!p0 $0x0  }
0x6c: {  	[sflag:s0] =	ssyncadd.s32 @!p0 s1  }
0x6d: {  	[bflag:$0x3] =	sbarrier.arrive $0xFFFF  }
0x6e: {  	_ =	shalt  }

// kernel: kernel.14.cloned.1.call-start
scs
__scs_entry_jumppad:
0x0: {  	(pc) =	sbr.rel $0x88, $3  }
0x1: {  	(tag) =	ssettag $0x0;
	lr =	simm.s32 $0x1  }
0x2: {  	[smem:$0x3F9B] =	sst lr;
	_ =	strace $0xD0000000  }
0x3: {  	_ = 	snop  }
0x4: {  	_ = 	snop  }
0x5: {  	_ = 	snop  }
0x6: {  	_ = 	snop  }
0x7: {  	_ = 	snop  }
__scs_overlays_trampoline_lowered:
0x8: {  	[smem:$0x3FAA] =	sst s0  }
0x9: {  	[smem:$0x3FAB] =	sst s1  }
0xa: {  	[smem:$0x3FAC] =	sst s2  }
0xb: {  	[smem:$0x3FAD] =	sst s3  }
0xc: {  	[smem:$0x3FAE] =	sst s4  }
0xd: {  	[smem:$0x3FAF] =	sst s5  }
0xe: {  	[smem:$0x3FB0] =	sst s6  }
0xf: {  	[smem:$0x3FB1] =	sst s7  }
0x10: {  	[smem:$0x3FB2] =	sst s8  }
0x11: {  	[smem:$0x3FB3] =	sst s9;
	s0 =	simm.s32 @!p0 $0x0  }
0x12: {  	s1 =	sld [smem:$0x3F99];
	s0 =	simm.s32 @p0 $0x1  }
0x13: {  	[smem:$0x3FB4] =	sst s0;
	s0 =	simm.s32 @!p1 $0x0  }
0x14: {  	s2 =	sld [smem:$0x3F98];
	s0 =	simm.s32 @p1 $0x1  }
0x15: {  	[smem:$0x3FB5] =	sst s0;
	s0 =	simm.s32 @!p2 $0x0  }
0x16: {  	s3 =	sld [smem:$0x3FDB];
	s0 =	simm.s32 @p2 $0x1  }
0x17: {  	s4 =	simm.s32 $0x1BF5;
	[smem:$0x3FB7] =	sst s0  }
0x18: {  	s0 =	sld [smem:$0x3F9A];
	_ =	swait.ge [sflag:s4], $0x0  }
0x19: {  	s7 =	sld [smem:$0x3F9B]  }
0x1a: {  	s8 =	sadd.s32 $0xFFFFE003, lr  }
0x1b: {  	s9 =	sadd.s32 $0xFFFFFEF7, lr;
	s5 =	simm.s32 $0xFFFFFFFF;
	p2 =	slt.u32 s8, $0xFFFFF086  }
0x1c: {  	p1 =	slt.u32 s9, $0xF7A;
	s5 =	simm.s32 @!p2 $0x0  }
0x1d: {  	s5 =	simm.s32 @p1 $0x1;
	p0 =	seq.s32 s7, s2  }
0x1e: {  	s7 =	smul.u32 @!p0 $0xF7A, s2;
	p2 =	seq.s32 @!p0 s5, $0x0  }
0x1f: {  	s9 =	smul.u32 $0xF7A, s1;
	s8 =	simm.s32 @!p0 $0x1BF5;
	p2 =	por !p2, p0  }
0x20: {  	[sflag:s8] =	ssyncset.s32 @!p0 $0xFFFFF086;
	s6 =	sadd.s32 @!p0 s3, s7;
	s7 =	simm.s32 @!p0 $0x108  }
0x21: {  	s3 =	sadd.s32 s3, s9;
	s6 =	sadd.s32 @!p0 $0x88, s6;
	s7 =	simm.s32 @p2 $0x1082  }
0x22: {  	[simem:s7], [sflag:s8] =	dma.local @!p0 [hbm:s6], $0xF7A  }
0x23: {  	s9 =	sor.u32 $0xD0000000, s2;
	s6 =	simm.s32 $0x108;
	_ =	swait.ge @!p0 [sflag:s8], $0x0  }
0x24: {  	s3 =	sadd.s32 $0x88, s3;
	s6 =	simm.s32 @!p1 $0x1082;
	[sflag:s4] =	ssyncset.s32 $0xFFFFF086  }
0x25: {  	[simem:s6], [sflag:s4] =	dma.local [hbm:s3], $0xF7A  }
0x26: {  	[smem:$0x3F9B] =	sst s1;
	(tag) =	ssettag s2;
	_ =	strace s9  }
0x27: {  	s1 =	sld [smem:$0x3FAB]  }
0x28: {  	s2 =	sld [smem:$0x3FAC]  }
0x29: {  	s4 =	sld [smem:$0x3FAE]  }
0x2a: {  	p0 =	seq.s32 s5, $0x0;
	s5 =	sld [smem:$0x3FAF]  }
0x2b: {  	s6 =	sld [smem:$0x3FB0]  }
0x2c: {  	s7 =	sld [smem:$0x3FB1]  }
0x2d: {  	s3 =	simm.s32 $0x108;
	s8 =	sld [smem:$0x3FB2]  }
0x2e: {  	s3 =	simm.s32 @!p0 $0x1082;
	s9 =	sld [smem:$0x3FB3]  }
0x2f: {  	lr =	sadd.s32 s0, s3;
	s0 =	sld [smem:$0x3FAA]  }
0x30: {  	s3 =	sld [smem:$0x3FAD]  }
0x31: {  	[smem:$0x3FB6] =	sst s10  }
0x32: {  	s10 =	sld [smem:$0x3FB4];
	_ =	sdelay $0x3  }
0x33: {  	p0 =	seq.s32 s10, $0x1;
	s10 =	sld [smem:$0x3FB6];
	_ =	sdelay $0x3  }
0x34: {  	[smem:$0x3FB6] =	sst s10  }
0x35: {  	s10 =	sld [smem:$0x3FB5];
	_ =	sdelay $0x3  }
0x36: {  	p1 =	seq.s32 s10, $0x1;
	s10 =	sld [smem:$0x3FB6];
	_ =	sdelay $0x3  }
0x37: {  	[smem:$0x3FB6] =	sst s10  }
0x38: {  	s10 =	sld [smem:$0x3FB7]  }
0x39: {  	_ = 	snop;
	(pc) =	sbr.ind lr, $3  }
0x3a: {  	_ = 	snop  }
0x3b: {  	_ = 	snop  }
0x3c: {  	p2 =	seq.s32 s10, $0x1;
	s10 =	sld [smem:$0x3FB6]  }
0x3d: {  	_ =	shalt  }
0x3e: {  	_ =	shalt  }
0x3f: {  	_ =	shalt  }
0x40: {  	_ =	shalt  }
0x41: {  	_ =	shalt  }
0x42: {  	_ =	shalt  }
0x43: {  	_ =	shalt  }
0x44: {  	_ =	shalt  }
0x45: {  	_ =	shalt  }
0x46: {  	_ =	shalt  }
0x47: {  	_ =	shalt  }
0x48: {  	_ =	shalt  }
0x49: {  	_ =	shalt  }
0x4a: {  	_ =	shalt  }
0x4b: {  	_ =	shalt  }
0x4c: {  	_ =	shalt  }
0x4d: {  	_ =	shalt  }
0x4e: {  	_ =	shalt  }
0x4f: {  	_ =	shalt  }
0x50: {  	_ =	shalt  }
0x51: {  	_ =	shalt  }
0x52: {  	_ =	shalt  }
0x53: {  	_ =	shalt  }
0x54: {  	_ =	shalt  }
0x55: {  	_ =	shalt  }
0x56: {  	_ =	shalt  }
0x57: {  	_ =	shalt  }
0x58: {  	_ =	shalt  }
0x59: {  	_ =	shalt  }
0x5a: {  	_ =	shalt  }
0x5b: {  	_ =	shalt  }
0x5c: {  	_ =	shalt  }
0x5d: {  	_ =	shalt  }
0x5e: {  	_ =	shalt  }
0x5f: {  	_ =	shalt  }
0x60: {  	_ =	shalt  }
0x61: {  	_ =	shalt  }
0x62: {  	_ =	shalt  }
0x63: {  	_ =	shalt  }
0x64: {  	_ =	shalt  }
0x65: {  	_ =	shalt  }
0x66: {  	_ =	shalt  }
0x67: {  	_ =	shalt  }
0x68: {  	_ =	shalt  }
0x69: {  	_ =	shalt  }
0x6a: {  	_ =	shalt  }
0x6b: {  	_ =	shalt  }
0x6c: {  	_ =	shalt  }
0x6d: {  	_ =	shalt  }
0x6e: {  	_ =	shalt  }
0x6f: {  	_ =	shalt  }
0x70: {  	_ =	shalt  }
0x71: {  	_ =	shalt  }
0x72: {  	_ =	shalt  }
0x73: {  	_ =	shalt  }
0x74: {  	_ =	shalt  }
0x75: {  	_ =	shalt  }
0x76: {  	_ =	shalt  }
0x77: {  	_ =	shalt  }
0x78: {  	_ =	shalt  }
0x79: {  	_ =	shalt  }
0x7a: {  	_ =	shalt  }
0x7b: {  	_ =	shalt  }
0x7c: {  	_ =	shalt  }
0x7d: {  	_ =	shalt  }
0x7e: {  	_ =	shalt  }
0x7f: {  	_ =	shalt  }
0x80: {  	_ =	shalt  }
0x81: {  	_ =	shalt  }
0x82: {  	_ =	shalt  }
0x83: {  	_ =	shalt  }
0x84: {  	_ =	shalt  }
0x85: {  	_ =	shalt  }
0x86: {  	_ =	shalt  }
0x87: {  	_ =	shalt  }
.Lfunc_end0:
.L_simem_size_0:
called_computation.2_lowered:
.L_overlay_start_0:
0x88: {  	s2 =	sld [smem:$0x3FD9]  }
0x89: {  	s3 =	sld [smem:$0x3FFE];
	_ =	sdelay $0x1  }
0x8a: {  	s1 =	srdreg.scid  }
0x8b: {  	s0 =	sand.u32 $0x1, s1  }
0x8c: {  	s17 =	sshll.u32 s0, $0xA;
	s2 =	sadd.s32 s3, s2  }
0x8d: {  	s2 =	sadd.s32 s2, s17  }
0x8e: {  	[smem:$0x3FC2] =	sst s2  }
0x8f: {  	_ = 	snop  }
0x90: {  	s2 =	sld [smem:$0x3FD0];
	(tm) =	ssettm $0x1  }
0x91: {  	s18 =	sld [smem:$0x3FFB];
	_ =	sdelay $0x3  }
0x92: {  	_ =	strace s18  }
0x93: {  	s3 =	sld [smem:$0x3FFC];
	_ =	sdelay $0x3  }
0x94: {  	_ =	strace s3  }
0x95: {  	s3 =	sld [smem:$0x3FFD];
	_ =	sdelay $0x3  }
0x96: {  	_ =	strace s3  }
0x97: {  	_ =	strace $0x8FFFFFFF  }
0x98: {  	s19 =	sld [smem:$0x3FDB];
	_ =	sdelay $0x1  }
0x99: {  	s4 =	simm.s32 $_scs_section_size  }
0x9a: {  	s5 =	simm.s32 $_size__tile_overlayer_lowered;
	s6 =	simm.s32 $_tile_overlayer_lowered  }
0x9b: {  	s22 =	simm.s32 $0x1BFF;
	s21 =	sshll.u32 s6, $0x1;
	s3 =	sadd.s32 s4, s19  }
0x9c: {  	s7 =	simm.s32 $0x0;
	s20 =	sshll.u32 s5, $0x1;
	s5 =	sadd.s32 s21, s3  }
0x9d: {  	[timem:s7], [sflag:s22] =	dma.local [hbm:s5], s20  }
0x9e: {  	_ =	swait.ge [sflag:s22], s20  }
0x9f: {  	s4 =	ssub.s32 $0x0, s20;
	[sflag:s22] =	ssyncset.done $0x0  }
0xa0: {  	[sflag:s22] =	ssyncadd.s32 s4;
	_ =	sdelay $0x1  }
0xa1: {  	s23 =	simm.s32 $0x1B8B  }
0xa2: {  	_ =	swait.ge [sflag:s23], $0x1  }
0xa3: {  	[sflag:s23] =	ssyncset.done $0x0  }
0xa4: {  	s25 =	simm.s32 $0x1B8E;
	s24 =	sld [smem:$0x3FFE];
	[sflag:s23] =	ssyncadd.s32 $0xFFFFFFFF  }
0xa5: {  	s26 =	simm.s32 $execute0_lowered;
	[smem:$0x3FD2] =	sst s25  }
0xa6: {  	s5 =	sshll.u32 s26, $0x1;
	_ =	strace $0x8000004C;
	[dreg:$0x1] =	wrdreg $0xFFFFFFFF  }
0xa7: {  	s28 =	simm.s32 $_size_execute0_lowered;
	s3 =	sadd.s32 s3, s5;
	[dreg:$0x0] =	wrdreg $0x0  }
0xa8: {  	s5 =	sshll.u32 s28, $0x1;
	[dreg:$0x2] =	wrdreg s3  }
0xa9: {  	[dreg:$0x3] =	wrdreg s5  }
0xaa: {  	[dreg:$0x4] =	wrdreg $0xC0  }
0xab: {  	_ =	task [dreg:s7], $0x5FFFF  }
0xac: {  	[dreg:$0x1] =	wrdreg $0xFFFFFFFF  }
0xad: {  	[dreg:$0x0] =	wrdreg $0x60  }
0xae: {  	[dreg:$0x2] =	wrdreg s24  }
0xaf: {  	[dreg:$0x3] =	wrdreg s2  }
0xb0: {  	[dreg:$0x4] =	wrdreg $0x9F000  }
0xb1: {  	[dreg:$0x5] =	wrdreg $0x9  }
0xb2: {  	_ =	task.clear_ibuf [dreg:s7], $0x6FFFF;
	_ =	strace $0x9000004C  }
0xb3: {  	s29 =	simm.s32 $0x9;
	_ =	strace $0x8000004E  }
0xb4: {  	_ =	swait.ge [sflag:s29], $0x1  }
0xb5: {  	[sflag:s29] =	ssyncadd.s32 $0xFFFFFFFF  }
0xb6: {  	_ =	strace $0x9000004E  }
0xb7: {  	_ =	sfence  }
0xb8: {  	s30 =	sld [smem:$0x0];
	_ =	sdelay $0x2  }
0xb9: {  	s31 =	sshll.u32 s1, $0xD;
	s1 =	sshrl.u32 s1, $0x2  }
0xba: {  	s3 =	sand.u32 $0x4000, s31;
	s1 =	sadd.s32 s1, s30  }
0xbb: {  	s0 =	sor.u32 s3, s0;
	s1 =	sshll.u32 s1, $0x11  }
0xbc: {  	s0 =	sor.u32 s1, s0  }
0xbd: {  	s0 =	sadd.s32 $0x8F2B, s0  }
0xbe: {  	[sflag:s0] =	ssyncadd.remote.s32 $0x1  }
0xbf: {  	_ =	sfence.sel $0xFFFF  }
0xc0: {  	[dreg:$0x0] =	wrdreg $0xFFFFFFFF;
	(pc) =	sbr.abs _section_cstart, $3  }
0xc1: {  	[dreg:$0x1] =	wrdreg $0xFFFFFFFF  }
0xc2: {  	_ =	task.clear_ibuf [dreg:s7], $0x2FFFF;
	_ =	strace $0x9FFFFFFF  }
0xc3: {  	(tm) =	ssettm $0x7FFFFFFF  }
tec
execute0_lowered:
.L_overlay_start_1:
0x0: {  	(tag) =	ssettag $0x1  }
0x1: {  	s5 =	rddreg [dreg:$0x0]  }
0x2: {  	s6 =	rddreg [dreg:$0x1]  }
0x3: {  	s2 =	rddreg [dreg:$0x2]  }
0x4: {  	s0 =	rddreg [dreg:$0x3];
	s4 =	srdreg.scid  }
0x5: {  	s1 =	stileid.u32;
	s3 =	simm.s32 $0x0;
	s13 =	simm.s32 $0x2780  }
0x6: {  	s14 =	simm.s32 $0x50;
	s15 =	simm.s32 $0x4F00;
	s16 =	simm.s32 $0x7700  }
0x7: {  	s17 =	simm.s32 $0x1;
	s18 =	simm.s32 $0x2;
	s19 =	simm.s32 $0x4DA0  }
0x8: {  	s20 =	simm.s32 $0x26C0;
	s21 =	simm.s32 $0x4DF0;
	s22 =	simm.s32 $0x4E40  }
0x9: {  	s23 =	simm.s32 $0x0;
	s7 =	sand.u32 $0x1, s4;
	s8 =	smul.u32 $0x13C00, s1  }
0xa: {  	[smem:$0x7FF] =	sst s3;
	s4 =	sadd.s32 $0x2800, s5;
	s11 =	smul.u32 $0x4F000, s1  }
0xb: {  	s31 =	sshll.u32 s1, $0x6;
	s9 =	smul.u32 $0x13C000, s7;
	s10 =	sshll.u32 s7, $0x4  }
0xc: {  	_ =	strace $0x8000004D;
	s7 =	ssub.s32 $0x2, s7;
	s10 =	sor.u32 s1, s10  }
0xd: {  	s28 =	sshrl.u32 s7, $0x1;
	s11 =	sshrl.u32 s11, $0x2;
	s30 =	sshrl.u32 s8, $0x3  }
0xe: {  	s9 =	sadd.s32 s8, s9;
	s10 =	smul.u32 $0x2710, s10;
	s12 =	ssub.s32 s7, s28  }
0xf: {  	s11 =	sadd.s32 s11, s2;
	s7 =	sor.u32 $0x1C03, s31;
	s9 =	sshrl.u32 s9, $0x3  }
0x10: {  	s11 =	sshrl.u32 s11, $0x3;
	s9 =	sadd.s32 s9, s5;
	s29 =	sshrl.u32 s10, $0x3  }
0x11: {  	s10 =	smax.u32 s12, $0x1;
	s12 =	simm.s32 $0x3;
	s5 =	sadd.s32 s6, s29  }
0x12: {  	s6 =	sadd.s32 s4, s30;
	s9 =	sadd.s32 $0x2A000, s9;
	s8 =	sadd.s32 $0x9C40, s5  }
.LBB2_1:
0x13: {  	[spmem:s11], [sflag:s7] =	dma.local [hbm:s6], $0x2780  }
0x14: {  	_ =	swait.ge [sflag:s12], $0x2780  }
0x15: {  	[sflag:s12] =	ssyncset.done $0x0  }
0x16: {  	[sflag:s12] =	ssyncadd.s32 $0xFFFFD880  }
0x17: {  	[tilespmem:s3], [sflag:$0x3] =	stream.linear.gather [hbm4b:s5+s3], $0x2710, $0x38;
	[tilespmem:$0x1DB00] =	vst v63  }
0x18: {  	_ =	swait.ge [sflag:s12], $0x2710  }
0x19: {  	[sflag:s12] =	ssyncset.done $0x0  }
0x1a: {  	[sflag:s12] =	ssyncadd.s32 $0xFFFFD8F0  }
0x1b: {  	[tilespmem:s13], [sflag:$0x3] =	stream.linear.gather [hbm4b:s8+s3], $0x2710, $0x38;
	[tilespmem:$0x1DB00] =	vst v63  }
0x1c: {  	_ =	swait.ge [sflag:s12], $0x2710  }
0x1d: {  	[sflag:s12] =	ssyncset.done $0x0  }
0x1e: {  	[sflag:s12] =	ssyncadd.s32 $0xFFFFD8F0  }
0x1f: {  	[bflag:$0x0] =	sbarrier.arrive $0xFFFF  }
0x20: {  	[tilespmem:s15], [sflag:$0x1] =	stream.indirect.gather [hbm4b:s4+s14], $0x80, s3, s14, $0xb8;
	[tilespmem:$0x1DB00] =	vst v63  }
0x21: {  	_ = 	snop  }
0x22: {  	[tilespmem:s16], [sflag:$0x2] =	stream.indirect.gather [hbm4b:s4+s14], $0x80, s14, s14, $0xb8;
	[tilespmem:$0x1DB00] =	vst v63  }
0x23: {  	_ =	swait.ge [sflag:s17], $0x2800  }
0x24: {  	[sflag:s17] =	ssyncset.done $0x0  }
0x25: {  	s24 =	simm.s32 $0x2780;
	[sflag:s17] =	ssyncadd.s32 $0xFFFFD800  }
0x26: {  	[spmem:s2] =	stream.indirect.scatter.add.f32 [tilespmem:s15], [sflag:$0x3], $0x80, s24, s14, $0xb8;
	[tilespmem:$0x1DB00] =	vst v63  }
0x27: {  	_ =	swait.ge [sflag:s12], $0x2800  }
0x28: {  	[sflag:s12] =	ssyncset.done $0x0  }
0x29: {  	s30 =	simm.s32 $0xA0;
	[sflag:s12] =	ssyncadd.s32 $0xFFFFD800  }
0x2a: {  	[tilespmem:s15], [sflag:$0x1] =	stream.indirect.gather [hbm4b:s4+s14], $0x80, s30, s14, $0xb8;
	[tilespmem:$0x1DB00] =	vst v63  }
0x2b: {  	_ =	swait.ge [sflag:s18], $0x2800  }
0x2c: {  	[sflag:s18] =	ssyncset.done $0x0  }
0x2d: {  	s31 =	simm.s32 $0x27D0;
	[sflag:s18] =	ssyncadd.s32 $0xFFFFD800  }
0x2e: {  	[spmem:s2] =	stream.indirect.scatter.add.f32 [tilespmem:s16], [sflag:$0x3], $0x80, s31, s14, $0xb8;
	[tilespmem:$0x1DB00] =	vst v63  }
0x2f: {  	_ =	swait.ge [sflag:s12], $0x2800  }
0x30: {  	[sflag:s12] =	ssyncset.done $0x0  }
0x31: {  	s25 =	simm.s32 $0xF0;
	s24 =	simm.s32 $0x280;
	[sflag:s12] =	ssyncadd.s32 $0xFFFFD800  }
.LBB2_2:
0x32: {  	[tilespmem:s16], [sflag:$0x2] =	stream.indirect.gather [hbm4b:s4+s14], $0x80, s25, s14, $0xb8;
	[tilespmem:$0x1DB00] =	vst v63  }
0x33: {  	s25 =	smov.u32 s24  }
0x34: {  	p0 =	sne.s32 s24, $0x9600;
	s24 =	sadd.s32 $0x280, s24;
	_ =	swait.ge [sflag:s17], $0x2800  }
0x35: {  	s25 =	sshra.s32 s25, $0x2;
	[sflag:s17] =	ssyncset.done $0x0  }
0x36: {  	s26 =	sadd.s32 $0x2780, s25;
	[sflag:s17] =	ssyncadd.s32 $0xFFFFD800  }
0x37: {  	[spmem:s2] =	stream.indirect.scatter.add.f32 [tilespmem:s15], [sflag:$0x3], $0x80, s26, s14, $0xb8;
	[tilespmem:$0x1DB00] =	vst v63  }
0x38: {  	_ =	swait.ge [sflag:s12], $0x2800  }
0x39: {  	[sflag:s12] =	ssyncset.done $0x0  }
0x3a: {  	s26 =	sadd.s32 $0xA0, s25;
	[sflag:s12] =	ssyncadd.s32 $0xFFFFD800  }
0x3b: {  	[tilespmem:s15], [sflag:$0x1] =	stream.indirect.gather [hbm4b:s4+s14], $0x80, s26, s14, $0xb8;
	[tilespmem:$0x1DB00] =	vst v63  }
0x3c: {  	_ =	swait.ge [sflag:s18], $0x2800  }
0x3d: {  	[sflag:s18] =	ssyncset.done $0x0  }
.Ltmp0:
0x3e: {  	s26 =	sadd.s32 $0x27D0, s25;
	[sflag:s18] =	ssyncadd.s32 $0xFFFFD800;
	(pc) =	sbr.rel @p0 .LBB2_2-.Ltmp0, $4  }
0x3f: {  	[spmem:s2] =	stream.indirect.scatter.add.f32 [tilespmem:s16], [sflag:$0x3], $0x80, s26, s14, $0xb8;
	[tilespmem:$0x1DB00] =	vst v63  }
0x40: {  	_ =	swait.ge [sflag:s12], $0x2800  }
0x41: {  	[sflag:s12] =	ssyncset.done $0x0  }
0x42: {  	s25 =	sadd.s32 $0xF0, s25;
	[sflag:s12] =	ssyncadd.s32 $0xFFFFD800  }
0x43: {  	[tilespmem:s16], [sflag:$0x2] =	stream.indirect.gather [hbm4b:s4+s14], $0x80, s25, s14, $0xb8;
	[tilespmem:$0x1DB00] =	vst v63  }
0x44: {  	_ =	swait.ge [sflag:s17], $0x2800  }
0x45: {  	[sflag:s17] =	ssyncset.done $0x0  }
0x46: {  	[sflag:s17] =	ssyncadd.s32 $0xFFFFD800  }
0x47: {  	[spmem:s2] =	stream.indirect.scatter.add.f32 [tilespmem:s15], [sflag:$0x3], $0x80, s19, s14, $0xb8;
	[tilespmem:$0x1DB00] =	vst v63  }
0x48: {  	_ =	swait.ge [sflag:s12], $0x2800  }
0x49: {  	[sflag:s12] =	ssyncset.done $0x0  }
0x4a: {  	[sflag:s12] =	ssyncadd.s32 $0xFFFFD800  }
0x4b: {  	[tilespmem:s15], [sflag:$0x1] =	stream.indirect.gather [hbm4b:s4+s14], $0x80, s20, s14, $0xb8;
	[tilespmem:$0x1DB00] =	vst v63  }
0x4c: {  	_ =	swait.ge [sflag:s18], $0x2800  }
0x4d: {  	[sflag:s18] =	ssyncset.done $0x0  }
0x4e: {  	[sflag:s18] =	ssyncadd.s32 $0xFFFFD800  }
0x4f: {  	[spmem:s2] =	stream.indirect.scatter.add.f32 [tilespmem:s16], [sflag:$0x3], $0x80, s21, s14, $0xb8;
	[tilespmem:$0x1DB00] =	vst v63  }
0x50: {  	_ =	swait.ge [sflag:s12], $0x2800  }
0x51: {  	[sflag:s12] =	ssyncset.done $0x0  }
0x52: {  	[sflag:s12] =	ssyncadd.s32 $0xFFFFD800  }
0x53: {  	_ =	swait.ge [sflag:s17], $0x2800  }
0x54: {  	[sflag:s17] =	ssyncset.done $0x0  }
0x55: {  	[sflag:s17] =	ssyncadd.s32 $0xFFFFD800  }
0x56: {  	[spmem:s2] =	stream.indirect.scatter.add.f32 [tilespmem:s15], [sflag:$0x3], $0x80, s22, s14, $0xb8;
	[tilespmem:$0x1DB00] =	vst v63  }
0x57: {  	_ =	swait.ge [sflag:s12], $0x2800  }
0x58: {  	s23 =	sadd.s32 $0x1, s23;
	[sflag:s12] =	ssyncset.done $0x0  }
0x59: {  	p0 =	sne.s32 s23, s10;
	[sflag:s12] =	ssyncadd.s32 $0xFFFFD800  }
.Ltmp1:
0x5a: {  	[bflag:$0x0] =	sbarrier.arrive $0xFFFF;
	(pc) =	sbr.rel @p0 .LBB2_1-.Ltmp1, $4  }
0x5b: {  	[hbm:s9], [sflag:s7] =	dma.local [spmem:s11], $0x2780  }
0x5c: {  	_ =	swait.ge [sflag:s12], $0x2780  }
0x5d: {  	[sflag:s12] =	ssyncset.done $0x0  }
0x5e: {  	[sflag:s12] =	ssyncadd.s32 $0xFFFFD880  }
0x5f: {  	_ =	sfence.sel $0x180000  }
0x60: {  	[bflag:$0x0] =	sbarrier.arrive $0xFFFF  }
0x61: {  	p0 =	sne.s32 s1, $0x0;
	_ =	strace $0x9000004D  }
0x62: {  	s0 =	sadd.s32 @!p0 $0x100000, s0;
	[bflag:$0x2] =	sbarrier.arrive $0xFFFF  }
0x63: {  	[sflag:s0] =	ssyncadd.tile.s32 @!p0 $0x1;
	_ =	shalt  }
.Lfunc_end2:
_tile_overlayer_lowered:
.L_overlay_start_2:
0x64: {  	(tag) =	ssettag $0x2  }
0x65: {  	s0 =	rddreg [dreg:$0x0];
	s2 =	stileid.u32  }
0x66: {  	s1 =	rddreg [dreg:$0x1];
	p0 =	sne.s32 s2, $0x0  }
0x67: {  	s3 =	rddreg [dreg:$0x2];
	[bflag:$0x3] =	sbarrier.arrive $0xFFFF;
	s2 =	simm.s32 @!p0 $0x1C03  }
0x68: {  	[timem:s3], [sflag:s2] =	dma.local @!p0 [hbm:s0], s1  }
0x69: {  	s0 =	simm.s32 @!p0 $0x3  }
0x6a: {  	_ =	swait.ge @!p0 [sflag:s0], s1  }
0x6b: {  	s1 =	ssub.s32 @!p0 $0x0, s1;
	[sflag:s0] =	ssyncset.done @!p0 $0x0  }
0x6c: {  	[sflag:s0] =	ssyncadd.s32 @!p0 s1  }
0x6d: {  	[bflag:$0x3] =	sbarrier.arrive $0xFFFF  }
0x6e: {  	_ =	shalt  }

// kernel: kernel.8.cloned.1.call-start
scs
__scs_entry_jumppad:
0x0: {  	(pc) =	sbr.rel $0x88, $3  }
0x1: {  	(tag) =	ssettag $0x0;
	lr =	simm.s32 $0x1  }
0x2: {  	[smem:$0x3F9B] =	sst lr;
	_ =	strace $0xD0000000  }
0x3: {  	_ = 	snop  }
0x4: {  	_ = 	snop  }
0x5: {  	_ = 	snop  }
0x6: {  	_ = 	snop  }
0x7: {  	_ = 	snop  }
__scs_overlays_trampoline_lowered:
0x8: {  	[smem:$0x3FAA] =	sst s0  }
0x9: {  	[smem:$0x3FAB] =	sst s1  }
0xa: {  	[smem:$0x3FAC] =	sst s2  }
0xb: {  	[smem:$0x3FAD] =	sst s3  }
0xc: {  	[smem:$0x3FAE] =	sst s4  }
0xd: {  	[smem:$0x3FAF] =	sst s5  }
0xe: {  	[smem:$0x3FB0] =	sst s6  }
0xf: {  	[smem:$0x3FB1] =	sst s7  }
0x10: {  	[smem:$0x3FB2] =	sst s8  }
0x11: {  	[smem:$0x3FB3] =	sst s9;
	s0 =	simm.s32 @!p0 $0x0  }
0x12: {  	s1 =	sld [smem:$0x3F99];
	s0 =	simm.s32 @p0 $0x1  }
0x13: {  	[smem:$0x3FB4] =	sst s0;
	s0 =	simm.s32 @!p1 $0x0  }
0x14: {  	s2 =	sld [smem:$0x3F98];
	s0 =	simm.s32 @p1 $0x1  }
0x15: {  	[smem:$0x3FB5] =	sst s0;
	s0 =	simm.s32 @!p2 $0x0  }
0x16: {  	s3 =	sld [smem:$0x3FDB];
	s0 =	simm.s32 @p2 $0x1  }
0x17: {  	s4 =	simm.s32 $0x1BF5;
	[smem:$0x3FB7] =	sst s0  }
0x18: {  	s0 =	sld [smem:$0x3F9A];
	_ =	swait.ge [sflag:s4], $0x0  }
0x19: {  	s7 =	sld [smem:$0x3F9B]  }
0x1a: {  	s8 =	sadd.s32 $0xFFFFE003, lr  }
0x1b: {  	s9 =	sadd.s32 $0xFFFFFEF7, lr;
	s5 =	simm.s32 $0xFFFFFFFF;
	p2 =	slt.u32 s8, $0xFFFFF086  }
0x1c: {  	p1 =	slt.u32 s9, $0xF7A;
	s5 =	simm.s32 @!p2 $0x0  }
0x1d: {  	s5 =	simm.s32 @p1 $0x1;
	p0 =	seq.s32 s7, s2  }
0x1e: {  	s7 =	smul.u32 @!p0 $0xF7A, s2;
	p2 =	seq.s32 @!p0 s5, $0x0  }
0x1f: {  	s9 =	smul.u32 $0xF7A, s1;
	s8 =	simm.s32 @!p0 $0x1BF5;
	p2 =	por !p2, p0  }
0x20: {  	[sflag:s8] =	ssyncset.s32 @!p0 $0xFFFFF086;
	s6 =	sadd.s32 @!p0 s3, s7;
	s7 =	simm.s32 @!p0 $0x108  }
0x21: {  	s3 =	sadd.s32 s3, s9;
	s6 =	sadd.s32 @!p0 $0x88, s6;
	s7 =	simm.s32 @p2 $0x1082  }
0x22: {  	[simem:s7], [sflag:s8] =	dma.local @!p0 [hbm:s6], $0xF7A  }
0x23: {  	s9 =	sor.u32 $0xD0000000, s2;
	s6 =	simm.s32 $0x108;
	_ =	swait.ge @!p0 [sflag:s8], $0x0  }
0x24: {  	s3 =	sadd.s32 $0x88, s3;
	s6 =	simm.s32 @!p1 $0x1082;
	[sflag:s4] =	ssyncset.s32 $0xFFFFF086  }
0x25: {  	[simem:s6], [sflag:s4] =	dma.local [hbm:s3], $0xF7A  }
0x26: {  	[smem:$0x3F9B] =	sst s1;
	(tag) =	ssettag s2;
	_ =	strace s9  }
0x27: {  	s1 =	sld [smem:$0x3FAB]  }
0x28: {  	s2 =	sld [smem:$0x3FAC]  }
0x29: {  	s4 =	sld [smem:$0x3FAE]  }
0x2a: {  	p0 =	seq.s32 s5, $0x0;
	s5 =	sld [smem:$0x3FAF]  }
0x2b: {  	s6 =	sld [smem:$0x3FB0]  }
0x2c: {  	s7 =	sld [smem:$0x3FB1]  }
0x2d: {  	s3 =	simm.s32 $0x108;
	s8 =	sld [smem:$0x3FB2]  }
0x2e: {  	s3 =	simm.s32 @!p0 $0x1082;
	s9 =	sld [smem:$0x3FB3]  }
0x2f: {  	lr =	sadd.s32 s0, s3;
	s0 =	sld [smem:$0x3FAA]  }
0x30: {  	s3 =	sld [smem:$0x3FAD]  }
0x31: {  	[smem:$0x3FB6] =	sst s10  }
0x32: {  	s10 =	sld [smem:$0x3FB4];
	_ =	sdelay $0x3  }
0x33: {  	p0 =	seq.s32 s10, $0x1;
	s10 =	sld [smem:$0x3FB6];
	_ =	sdelay $0x3  }
0x34: {  	[smem:$0x3FB6] =	sst s10  }
0x35: {  	s10 =	sld [smem:$0x3FB5];
	_ =	sdelay $0x3  }
0x36: {  	p1 =	seq.s32 s10, $0x1;
	s10 =	sld [smem:$0x3FB6];
	_ =	sdelay $0x3  }
0x37: {  	[smem:$0x3FB6] =	sst s10  }
0x38: {  	s10 =	sld [smem:$0x3FB7]  }
0x39: {  	_ = 	snop;
	(pc) =	sbr.ind lr, $3  }
0x3a: {  	_ = 	snop  }
0x3b: {  	_ = 	snop  }
0x3c: {  	p2 =	seq.s32 s10, $0x1;
	s10 =	sld [smem:$0x3FB6]  }
0x3d: {  	_ =	shalt  }
0x3e: {  	_ =	shalt  }
0x3f: {  	_ =	shalt  }
0x40: {  	_ =	shalt  }
0x41: {  	_ =	shalt  }
0x42: {  	_ =	shalt  }
0x43: {  	_ =	shalt  }
0x44: {  	_ =	shalt  }
0x45: {  	_ =	shalt  }
0x46: {  	_ =	shalt  }
0x47: {  	_ =	shalt  }
0x48: {  	_ =	shalt  }
0x49: {  	_ =	shalt  }
0x4a: {  	_ =	shalt  }
0x4b: {  	_ =	shalt  }
0x4c: {  	_ =	shalt  }
0x4d: {  	_ =	shalt  }
0x4e: {  	_ =	shalt  }
0x4f: {  	_ =	shalt  }
0x50: {  	_ =	shalt  }
0x51: {  	_ =	shalt  }
0x52: {  	_ =	shalt  }
0x53: {  	_ =	shalt  }
0x54: {  	_ =	shalt  }
0x55: {  	_ =	shalt  }
0x56: {  	_ =	shalt  }
0x57: {  	_ =	shalt  }
0x58: {  	_ =	shalt  }
0x59: {  	_ =	shalt  }
0x5a: {  	_ =	shalt  }
0x5b: {  	_ =	shalt  }
0x5c: {  	_ =	shalt  }
0x5d: {  	_ =	shalt  }
0x5e: {  	_ =	shalt  }
0x5f: {  	_ =	shalt  }
0x60: {  	_ =	shalt  }
0x61: {  	_ =	shalt  }
0x62: {  	_ =	shalt  }
0x63: {  	_ =	shalt  }
0x64: {  	_ =	shalt  }
0x65: {  	_ =	shalt  }
0x66: {  	_ =	shalt  }
0x67: {  	_ =	shalt  }
0x68: {  	_ =	shalt  }
0x69: {  	_ =	shalt  }
0x6a: {  	_ =	shalt  }
0x6b: {  	_ =	shalt  }
0x6c: {  	_ =	shalt  }
0x6d: {  	_ =	shalt  }
0x6e: {  	_ =	shalt  }
0x6f: {  	_ =	shalt  }
0x70: {  	_ =	shalt  }
0x71: {  	_ =	shalt  }
0x72: {  	_ =	shalt  }
0x73: {  	_ =	shalt  }
0x74: {  	_ =	shalt  }
0x75: {  	_ =	shalt  }
0x76: {  	_ =	shalt  }
0x77: {  	_ =	shalt  }
0x78: {  	_ =	shalt  }
0x79: {  	_ =	shalt  }
0x7a: {  	_ =	shalt  }
0x7b: {  	_ =	shalt  }
0x7c: {  	_ =	shalt  }
0x7d: {  	_ =	shalt  }
0x7e: {  	_ =	shalt  }
0x7f: {  	_ =	shalt  }
0x80: {  	_ =	shalt  }
0x81: {  	_ =	shalt  }
0x82: {  	_ =	shalt  }
0x83: {  	_ =	shalt  }
0x84: {  	_ =	shalt  }
0x85: {  	_ =	shalt  }
0x86: {  	_ =	shalt  }
0x87: {  	_ =	shalt  }
.Lfunc_end0:
.L_simem_size_0:
called_computation_lowered:
.L_overlay_start_0:
0x88: {  	s2 =	sld [smem:$0x3FD9]  }
0x89: {  	s3 =	sld [smem:$0x3FFE];
	_ =	sdelay $0x1  }
0x8a: {  	s1 =	srdreg.scid  }
0x8b: {  	s0 =	sand.u32 $0x1, s1  }
0x8c: {  	s17 =	sshll.u32 s0, $0xA;
	s2 =	sadd.s32 s3, s2  }
0x8d: {  	s2 =	sadd.s32 s2, s17  }
0x8e: {  	[smem:$0x3FC2] =	sst s2  }
0x8f: {  	_ = 	snop  }
0x90: {  	s2 =	sld [smem:$0x3FD0];
	(tm) =	ssettm $0x1  }
0x91: {  	s18 =	sld [smem:$0x3FFB];
	_ =	sdelay $0x3  }
0x92: {  	_ =	strace s18  }
0x93: {  	s3 =	sld [smem:$0x3FFC];
	_ =	sdelay $0x3  }
0x94: {  	_ =	strace s3  }
0x95: {  	s3 =	sld [smem:$0x3FFD];
	_ =	sdelay $0x3  }
0x96: {  	_ =	strace s3  }
0x97: {  	_ =	strace $0x8FFFFFFF  }
0x98: {  	s19 =	sld [smem:$0x3FDB];
	_ =	sdelay $0x1  }
0x99: {  	s4 =	simm.s32 $_scs_section_size  }
0x9a: {  	s5 =	simm.s32 $_size__tile_overlayer_lowered;
	s6 =	simm.s32 $_tile_overlayer_lowered  }
0x9b: {  	s22 =	simm.s32 $0x1BFF;
	s21 =	sshll.u32 s6, $0x1;
	s3 =	sadd.s32 s4, s19  }
0x9c: {  	s7 =	simm.s32 $0x0;
	s20 =	sshll.u32 s5, $0x1;
	s5 =	sadd.s32 s21, s3  }
0x9d: {  	[timem:s7], [sflag:s22] =	dma.local [hbm:s5], s20  }
0x9e: {  	_ =	swait.ge [sflag:s22], s20  }
0x9f: {  	s4 =	ssub.s32 $0x0, s20;
	[sflag:s22] =	ssyncset.done $0x0  }
0xa0: {  	[sflag:s22] =	ssyncadd.s32 s4;
	_ =	sdelay $0x1  }
0xa1: {  	s23 =	simm.s32 $0x1B8B  }
0xa2: {  	_ =	swait.ge [sflag:s23], $0x1  }
0xa3: {  	[sflag:s23] =	ssyncset.done $0x0  }
0xa4: {  	s25 =	simm.s32 $0x1B8E;
	s24 =	sld [smem:$0x3FFE];
	[sflag:s23] =	ssyncadd.s32 $0xFFFFFFFF  }
0xa5: {  	s26 =	simm.s32 $execute0_lowered;
	[smem:$0x3FD2] =	sst s25  }
0xa6: {  	s5 =	sshll.u32 s26, $0x1;
	_ =	strace $0x80000046;
	[dreg:$0x1] =	wrdreg $0xFFFFFFFF  }
0xa7: {  	s28 =	simm.s32 $_size_execute0_lowered;
	s3 =	sadd.s32 s3, s5;
	[dreg:$0x0] =	wrdreg $0x0  }
0xa8: {  	s5 =	sshll.u32 s28, $0x1;
	[dreg:$0x2] =	wrdreg s3  }
0xa9: {  	[dreg:$0x3] =	wrdreg s5  }
0xaa: {  	[dreg:$0x4] =	wrdreg $0xC0  }
0xab: {  	_ =	task [dreg:s7], $0x5FFFF  }
0xac: {  	[dreg:$0x1] =	wrdreg $0xFFFFFFFF  }
0xad: {  	[dreg:$0x0] =	wrdreg $0x60  }
0xae: {  	[dreg:$0x2] =	wrdreg s2  }
0xaf: {  	[dreg:$0x3] =	wrdreg s24  }
0xb0: {  	[dreg:$0x4] =	wrdreg $0x9  }
0xb1: {  	_ =	task.clear_ibuf [dreg:s7], $0x5FFFF;
	_ =	strace $0x90000046  }
0xb2: {  	s29 =	simm.s32 $0x9;
	_ =	strace $0x80000048  }
0xb3: {  	_ =	swait.ge [sflag:s29], $0x1  }
0xb4: {  	[sflag:s29] =	ssyncadd.s32 $0xFFFFFFFF  }
0xb5: {  	_ =	strace $0x90000048  }
0xb6: {  	_ =	sfence  }
0xb7: {  	s30 =	sld [smem:$0x0];
	_ =	sdelay $0x2  }
0xb8: {  	s31 =	sshll.u32 s1, $0xD;
	s1 =	sshrl.u32 s1, $0x2  }
0xb9: {  	s3 =	sand.u32 $0x4000, s31;
	s1 =	sadd.s32 s1, s30  }
0xba: {  	s0 =	sor.u32 s3, s0;
	s1 =	sshll.u32 s1, $0x11  }
0xbb: {  	s0 =	sor.u32 s1, s0  }
0xbc: {  	s0 =	sadd.s32 $0x8F2B, s0  }
0xbd: {  	[sflag:s0] =	ssyncadd.remote.s32 $0x1  }
0xbe: {  	_ =	sfence.sel $0xFFFF  }
0xbf: {  	[dreg:$0x0] =	wrdreg $0xFFFFFFFF;
	(pc) =	sbr.abs _section_cstart, $3  }
0xc0: {  	[dreg:$0x1] =	wrdreg $0xFFFFFFFF  }
0xc1: {  	_ =	task.clear_ibuf [dreg:s7], $0x2FFFF;
	_ =	strace $0x9FFFFFFF  }
0xc2: {  	(tm) =	ssettm $0x7FFFFFFF  }
0xc3: {  	_ =	shalt  }
tec
execute0_lowered:
.L_overlay_start_1:
0x0: {  	(tag) =	ssettag $0x1  }
0x1: {  	s0 =	srdreg.scid  }
0x2: {  	s3 =	sand.u32 $0x1, s0  }
0x3: {  	s4 =	rddreg [dreg:$0x0];
	s0 =	stileid.u32;
	s1 =	sshll.u32 s3, $0x4  }
0x4: {  	s5 =	rddreg [dreg:$0x1];
	s6 =	sor.u32 s0, s1  }
0x5: {  	s2 =	simm.s32 $0x0;
	s3 =	ssub.s32 $0x2, s3;
	s7 =	smul.u32 $0x2710, s6  }
0x6: {  	[smem:$0x7FF] =	sst s2;
	s8 =	sshrl.u32 s3, $0x1;
	s6 =	smul.u32 $0x4F0, s6  }
0x7: {  	s1 =	rddreg [dreg:$0x2];
	_ =	strace $0x80000047;
	s30 =	ssub.s32 s3, s8  }
0x8: {  	s8 =	simm.s32 $0x0;
	s7 =	sshrl.u32 s7, $0x3;
	s5 =	sadd.s32 s6, s5  }
0x9: {  	s6 =	simm.s32 $0x1;
	s31 =	sadd.s32 s4, s7;
	s4 =	sadd.s32 $0x2800, s5  }
0xa: {  	v0 =	vimm.f32 $0.0e+00;
	v1 =	vimm.f32 $1.000000000e+00;
	s5 =	smax.u32 s30, $0x1;
	s7 =	simm.s32 $0x2780;
	s3 =	sadd.s32 $0x9C40, s31  }
.LBB2_1:
0xb: {  	s9 =	simm.s32 $0x40;
	s10 =	simm.s32 $0x0  }
.LBB2_2:
0xc: {  	p0 =	sne.s32 s9, $0x9DC0;
	[tilespmem:s10+$0x2780] =	vst v0;
	s10 =	smov.u32 s9;
	s9 =	sadd.s32 $0x40, s9  }
.Ltmp0:
0xd: {  	(pc) =	sbr.rel @p0 .LBB2_2-.Ltmp0, $2  }
0xe: {  	_ =	sdelay $0x2  }
0xf: {  	s10 =	sshra.s32 s10, $0x2  }
0x10: {  	[tilespmem:s10+$0x2780] =	vst v0;
	s9 =	simm.s32 $0x0  }
0x11: {  	[tilespmem:s9], [sflag:$0x1] =	stream.linear.gather [hbm4b:s3+s9], $0x2710, $0x38;
	[tilespmem:$0x4F00] =	vst v63  }
0x12: {  	_ =	swait.ge [sflag:s6], $0x2710  }
0x13: {  	[sflag:s6] =	ssyncset.done $0x0  }
0x14: {  	s10 =	simm.s32 $0x0;
	s9 =	simm.s32 $0x40;
	[sflag:s6] =	ssyncadd.s32 $0xFFFFD8F0  }
.LBB2_4:
0x15: {  	p0 =	sne.s32 s9, $0x9C00;
	v2 =	vld [tilespmem:s10+$0x0];
	_ =	sdelay $0x3  }
.Ltmp1:
0x16: {  	(pc) =	sbr.rel @p0 .LBB2_4-.Ltmp1, $2  }
0x17: {  	_ =	sdelay $0x2  }
0x18: {  	s10 =	sshra.s32 s9, $0x2;
	s9 =	sadd.s32 $0x40, s9;
	[tilespmem:v2+s7+$0x0] =	vst.idx.add.f32.msk $0xffff, v1  }
0x19: {  	v2 =	vld [tilespmem:s10+$0x0];
	_ =	sdelay $0x5  }
0x1a: {  	s8 =	sadd.s32 $0x1, s8  }
0x1b: {  	p0 =	sne.s32 s8, s5  }
.Ltmp2:
0x1c: {  	[tilespmem:v2+s7+$0x0] =	vst.idx.add.f32.msk $0xffff, v1;
	(pc) =	sbr.rel @p0 .LBB2_1-.Ltmp2, $4  }
0x1d: {  	[hbm4b:s4+s2] =	stream.linear.scatter [tilespmem:s7], [sflag:$0x1], $0x2780, $0x38;
	[tilespmem:$0x4F00] =	vst v63  }
0x1e: {  	_ =	swait.ge [sflag:s6], $0x2780  }
0x1f: {  	[sflag:s6] =	ssyncset.done $0x0  }
0x20: {  	[sflag:s6] =	ssyncadd.s32 $0xFFFFD880  }
0x21: {  	_ =	sfence.sel $0x180000  }
0x22: {  	[bflag:$0x0] =	sbarrier.arrive $0xFFFF  }
0x23: {  	p0 =	sne.s32 s0, $0x0;
	_ =	strace $0x90000047  }
0x24: {  	s0 =	sadd.s32 @!p0 $0x100000, s1;
	[bflag:$0x2] =	sbarrier.arrive $0xFFFF  }
0x25: {  	[sflag:s0] =	ssyncadd.tile.s32 @!p0 $0x1;
	_ =	shalt  }
.Lfunc_end2:
_tile_overlayer_lowered:
.L_overlay_start_2:
0x26: {  	(tag) =	ssettag $0x2  }
0x27: {  	s0 =	rddreg [dreg:$0x0];
	s2 =	stileid.u32  }
0x28: {  	s1 =	rddreg [dreg:$0x1];
	p0 =	sne.s32 s2, $0x0  }
0x29: {  	s3 =	rddreg [dreg:$0x2];
	[bflag:$0x3] =	sbarrier.arrive $0xFFFF;
	s2 =	simm.s32 @!p0 $0x1C01  }
0x2a: {  	[timem:s3], [sflag:s2] =	dma.local @!p0 [hbm:s0], s1  }
0x2b: {  	s0 =	simm.s32 @!p0 $0x1  }
0x2c: {  	_ =	swait.ge @!p0 [sflag:s0], s1  }
0x2d: {  	s1 =	ssub.s32 @!p0 $0x0, s1;
	[sflag:s0] =	ssyncset.done @!p0 $0x0  }
0x2e: {  	[sflag:s0] =	ssyncadd.s32 @!p0 s1  }
0x2f: {  	[bflag:$0x3] =	sbarrier.arrive $0xFFFF  }
0x30: {  	_ =	shalt  }

</sc_bundles>
